<compile_context>
chip_gen: v7x
topology: tpu7x:2x2x1
jax: 0.10.2.dev20260603
libtpu: 0.0.44.dev20260713+nightly
codegen_flags: <defaults>
</compile_context>

<pallas_src>
import functools

import numpy as np
import jax
import jax.numpy as jnp
from jax import lax
from jax.experimental import pallas as pl
from jax.experimental.pallas import tpu as pltpu
from jax.experimental.pallas import tpu_sc as plsc

B, U, T, D, H = 4, 2048, 4096, 256, 8
DH = D // H
K = 16
SCALE = 1.0 / np.sqrt(DH)

UB = 256
CW = 128
NCH = T // CW


def _topk_body(dist_ref, idx_ref):
    b = pl.program_id(0)
    f32 = jnp.float32
    INF = jnp.float32(np.inf)
    lane = lax.broadcasted_iota(jnp.int32, (UB, CW), 1).astype(f32)
    chunk_iota = lax.broadcasted_iota(jnp.int32, (UB, NCH), 1).astype(f32)
    ki = lax.broadcasted_iota(jnp.int32, (UB, K), 1).astype(f32)

    Ms, Gs = [], []
    for c in range(NCH):
        ch = dist_ref[0, :, c * CW:(c + 1) * CW]
        mc = jnp.min(ch, axis=1, keepdims=True)
        jc = jnp.min(jnp.where(ch == mc, lane, f32(CW)), axis=1, keepdims=True)
        Ms.append(mc)
        Gs.append(jc + c * CW)
    M0 = jnp.concatenate(Ms, axis=1)
    G0 = jnp.concatenate(Gs, axis=1)

    def round_(i, carry):
        M, G, out = carry
        m = jnp.min(M, axis=1, keepdims=True)
        j = jnp.min(jnp.where(M == m, G, f32(T)), axis=1, keepdims=True)
        out = jnp.where(ki == i.astype(f32), j, out)
        c_star = jnp.floor(j * (1.0 / CW))
        E = dist_ref[0, :, 0:CW]
        for c in range(1, NCH):
            E = jnp.where(c_star == c, dist_ref[0, :, c * CW:(c + 1) * CW], E)
        gl = c_star * CW + lane
        keep = (E > m) | ((E == m) & (gl > j))
        Em = jnp.where(keep, E, INF)
        newM = jnp.min(Em, axis=1, keepdims=True)
        newG = jnp.min(jnp.where(Em == newM, gl, f32(T)), axis=1, keepdims=True)
        M = jnp.where(chunk_iota == c_star, newM, M)
        G = jnp.where(chunk_iota == c_star, newG, G)
        return M, G, out

    _, _, out = lax.fori_loop(0, K, round_, (M0, G0, jnp.zeros((UB, K), f32)))
    idx_ref[0] = out.astype(jnp.int32) + b * T


def _topk(distances):
    nb = distances.shape[0]
    return pl.pallas_call(
        _topk_body,
        grid=(nb, U // UB),
        in_specs=[pl.BlockSpec((1, UB, T), lambda b, u: (b, u, 0))],
        out_specs=pl.BlockSpec((1, UB, K), lambda b, u: (b, u, 0)),
        out_shape=jax.ShapeDtypeStruct((nb, U, K), jnp.int32),
    )(distances)


_NC, _NS = 2, 16
_NW = _NC * _NS
_CH = 128


def _gather_body(table_hbm, idx_hbm, out_hbm, idx0, idx1, rows0, rows1,
                 isem0, isem1, gsem0, gsem1, osem0, osem1, *, _RPW, _NCHUNK):
    wid = lax.axis_index("s") * _NC + lax.axis_index("c")
    base = wid * _RPW
    idxs, rows = (idx0, idx1), (rows0, rows1)
    isems, gsems, osems = (isem0, isem1), (gsem0, gsem1), (osem0, osem1)

    def off_of(c):
        return pl.multiple_of(base + c * _CH, _CH)

    pltpu.async_copy(idx_hbm.at[pl.ds(off_of(0), _CH)], idxs[0], isems[0])
    pltpu.async_copy(idx_hbm.at[pl.ds(off_of(1), _CH)], idxs[1], isems[1])

    def pair(g, carry):
        for b in range(2):
            c = g * 2 + b
            off = off_of(c)

            @pl.when(g > 0)
            def _():
                pltpu.make_async_copy(
                    rows[b], out_hbm.at[pl.ds(off_of(c - 2), _CH)], osems[b]
                ).wait()

            pltpu.make_async_copy(
                idx_hbm.at[pl.ds(off, _CH)], idxs[b], isems[b]).wait()
            pltpu.async_copy(table_hbm.at[idxs[b]], rows[b], gsems[b])
            pltpu.make_async_copy(table_hbm.at[idxs[b]], rows[b], gsems[b]).wait()

            @pl.when(c + 2 < _NCHUNK)
            def _():
                pltpu.async_copy(
                    idx_hbm.at[pl.ds(off_of(c + 2), _CH)], idxs[b], isems[b])

            pltpu.async_copy(rows[b], out_hbm.at[pl.ds(off, _CH)], osems[b])
        return carry

    lax.fori_loop(0, _NCHUNK // 2, pair, 0)
    for b in range(2):
        pltpu.make_async_copy(
            rows[b],
            out_hbm.at[pl.ds(off_of(_NCHUNK - 2 + b), _CH)],
            osems[b],
        ).wait()


@functools.cache
def _make_gather(nrows):
    rpw = nrows // _NW
    nchunk = rpw // _CH
    body = functools.partial(_gather_body, _RPW=rpw, _NCHUNK=nchunk)
    return pl.kernel(
        body,
        out_type=jax.ShapeDtypeStruct((nrows, D), jnp.float32),
        mesh=plsc.VectorSubcoreMesh(core_axis_name="c", subcore_axis_name="s"),
        scratch_types=[
            pltpu.VMEM((_CH,), jnp.int32),
            pltpu.VMEM((_CH,), jnp.int32),
            pltpu.VMEM((_CH, D), jnp.float32),
            pltpu.VMEM((_CH, D), jnp.float32),
            pltpu.SemaphoreType.DMA,
            pltpu.SemaphoreType.DMA,
            pltpu.SemaphoreType.DMA,
            pltpu.SemaphoreType.DMA,
            pltpu.SemaphoreType.DMA,
            pltpu.SemaphoreType.DMA,
        ],
    )


QB = 128


def _attn_body(uav_ref, sel_ref, wq_ref, wk_ref, wv_ref, wo_ref, bo_ref, out_ref):
    f32 = jnp.float32
    bf16 = jnp.bfloat16
    dims_t = (((1,), (1,)), ((), ()))

    x = uav_ref[...].astype(bf16)
    q = lax.dot_general(x, wq_ref[...].astype(bf16), dims_t,
                        preferred_element_type=f32)
    sel = sel_ref[...].astype(bf16)
    kmat = lax.dot_general(sel, wk_ref[...].astype(bf16), dims_t,
                           preferred_element_type=f32)
    vmat = lax.dot_general(sel, wv_ref[...].astype(bf16), dims_t,
                           preferred_element_type=f32)

    dd = lax.broadcasted_iota(jnp.int32, (D, H), 0)
    hh = lax.broadcasted_iota(jnp.int32, (D, H), 1)
    G = (dd // DH == hh).astype(f32)

    qe = jnp.broadcast_to(q[:, None, :], (QB, K, D)).reshape(QB * K, D)
    prod = qe * kmat
    scores = lax.dot_general(prod, G, (((1,), (0,)), ((), ())),
                             preferred_element_type=f32) * SCALE

    s = scores.reshape(QB, K, H)
    m = jnp.max(s, axis=1, keepdims=True)
    e = jnp.exp(s - m)
    p = (e / jnp.sum(e, axis=1, keepdims=True)).reshape(QB * K, H)

    pfull = lax.dot_general(p, G, (((1,), (1,)), ((), ())),
                            preferred_element_type=f32)
    ctx = (pfull * vmat).reshape(QB, K, D)
    attn_out = jnp.sum(ctx, axis=1)

    out = lax.dot_general(attn_out.astype(bf16), wo_ref[...].astype(bf16),
                          dims_t, preferred_element_type=f32) + bo_ref[...]
    out_ref[...] = out


def _attention(uav_flat, sel, Wq, Wk, Wv, Wo, bo2):
    nq = uav_flat.shape[0]
    wspec = pl.BlockSpec((D, D), lambda i: (0, 0))
    return pl.pallas_call(
        _attn_body,
        grid=(nq // QB,),
        in_specs=[
            pl.BlockSpec((QB, D), lambda i: (i, 0)),
            pl.BlockSpec((QB * K, D), lambda i: (i, 0)),
            wspec, wspec, wspec, wspec,
            pl.BlockSpec((1, D), lambda i: (0, 0)),
        ],
        out_specs=pl.BlockSpec((QB, D), lambda i: (i, 0)),
        out_shape=jax.ShapeDtypeStruct((nq, D), jnp.float32),
    )(uav_flat, sel, Wq, Wk, Wv, Wo, bo2)


def kernel(uav_embeddings, target_embeddings, distances, Wq, Wk, Wv, Wo, bo):
    idx = _topk(distances)
    sel = _make_gather(B * U * K)(target_embeddings.reshape(B * T, D),
                                  idx.reshape(B * U * K))
    out = _attention(uav_embeddings.reshape(B * U, D), sel,
                     Wq, Wk, Wv, Wo, bo.reshape(1, D))
    return out.reshape(B, U, D)

# --- scband reference (transcript-rebuilt; emitter-appended) ---
"""Pipeline reference for scband-local-attention-84069689852514 (READ-ONLY COPY).

The authoritative reference and input builder live on the scoring server;
editing this copy changes nothing except your own understanding.
"""

import jax, jax.numpy as jnp
import numpy as np

B, U, T, D, H = 4, 2048, 4096, 256, 8
DH = D // H
K = 16  # eval-mode adaptive k: min(max(4, ceil(4096/4)), 16) = 16
TEMP = 1.0


def setup_inputs(seed: int = 0) -> dict:
    key = jax.random.key(seed)
    ks = jax.random.split(key, 8)
    uav_embeddings = jax.random.normal(ks[0], (B, U, D), dtype=jnp.float32)
    target_embeddings = jax.random.normal(ks[1], (B, T, D), dtype=jnp.float32)
    distances = jax.random.uniform(ks[2], (B, U, T), dtype=jnp.float32)
    # xavier_uniform with gain 1/sqrt(2) ~ scaled init
    s = (1.0 / np.sqrt(2.0)) * np.sqrt(6.0 / (D + D))
    Wq = jax.random.uniform(ks[3], (D, D), jnp.float32, -s, s)
    Wk = jax.random.uniform(ks[4], (D, D), jnp.float32, -s, s)
    Wv = jax.random.uniform(ks[5], (D, D), jnp.float32, -s, s)
    Wo = jax.random.uniform(ks[6], (D, D), jnp.float32, -s, s)
    bo = jnp.zeros((D,), jnp.float32)
    return {"uav_embeddings": uav_embeddings, "target_embeddings": target_embeddings,
            "distances": distances, "Wq": Wq, "Wk": Wk, "Wv": Wv, "Wo": Wo, "bo": bo}


def reference(uav_embeddings, target_embeddings, distances, Wq, Wk, Wv, Wo, bo):
    # k-nearest selection: smallest distances -> top_k on negated distances
    _, idx = jax.lax.top_k(-distances, K)  # idx: [B, U, K]
    # gather selected target embeddings: [B, U, K, D]
    selected = jax.vmap(lambda te, ix: te[ix])(target_embeddings, idx)
    # projections (torch Linear: y = x @ W.T)
    q = uav_embeddings @ Wq.T            # [B, U, D]
    k = selected @ Wk.T                  # [B, U, K, D]
    v = selected @ Wv.T                  # [B, U, K, D]
    q = q.reshape(B, U, H, DH).transpose(0, 2, 1, 3)        # [B, H, U, DH]
    k = k.reshape(B, U, K, H, DH).transpose(0, 3, 1, 2, 4)  # [B, H, U, K, DH]
    v = v.reshape(B, U, K, H, DH).transpose(0, 3, 1, 2, 4)  # [B, H, U, K, DH]
    scores = jnp.einsum('bhud,bhukd->bhuk', q, k) / np.sqrt(DH) / TEMP
    attn = jax.nn.softmax(scores, axis=-1)
    out = jnp.einsum('bhuk,bhukd->bhud', attn, v)           # [B, H, U, DH]
    out = out.transpose(0, 2, 1, 3).reshape(B, U, D)
    return out @ Wo.T + bo

if __name__ == "__main__":
    import jax
    _d = setup_inputs()
    print(jax.jit(kernel)(*tuple(_d.values())))

</pallas_src>

<mosaic_0001>
#map = affine_map<(d0, d1) -> (0, 0)>
#map1 = affine_map<(d0, d1) -> (0)>
module attributes {stable_mosaic.version = 14 : i64} {
  func.func @_gather_body(%arg0: i32, %arg1: i32, %arg2: memref<16384x256xf32, #tpu.memory_space<hbm>>, %arg3: memref<131072xi32, #tpu.memory_space<hbm>>, %arg4: memref<131072x256xf32, #tpu.memory_space<hbm>>, %arg5: memref<128xi32, #tpu.memory_space<vmem>>, %arg6: memref<128xi32, #tpu.memory_space<vmem>>, %arg7: memref<128x256xf32, #tpu.memory_space<vmem>>, %arg8: memref<128x256xf32, #tpu.memory_space<vmem>>, %arg9: memref<!tpu.dma_semaphore, #tpu.memory_space<semaphore_mem>>, %arg10: memref<!tpu.dma_semaphore, #tpu.memory_space<semaphore_mem>>, %arg11: memref<!tpu.dma_semaphore, #tpu.memory_space<semaphore_mem>>, %arg12: memref<!tpu.dma_semaphore, #tpu.memory_space<semaphore_mem>>, %arg13: memref<!tpu.dma_semaphore, #tpu.memory_space<semaphore_mem>>, %arg14: memref<!tpu.dma_semaphore, #tpu.memory_space<semaphore_mem>>) attributes {dimension_semantics = [#tpu.dimension_semantics<core_parallel>, #tpu.dimension_semantics<subcore_parallel>], iteration_bounds = array<i64: 2, 16>, scalar_prefetch = 0 : i64, scratch_operands = 10 : i64, tpu.core_type = #tpu.core_type<sc_vector_subcore>, window_params = [{transform_indices = #map}, {transform_indices = #map1}, {transform_indices = #map}]} {
    %mul3A = arith.constant 2 : i32
    %mul3A_0 = arith.muli %arg1, %mul3A : i32
    %add3A = arith.addi %mul3A_0, %arg0 : i32
    %mul3A_1 = arith.constant 4096 : i32
    %mul3A_2 = arith.muli %add3A, %mul3A_1 : i32
    %add3A_3 = arith.constant 0 : i32
    %add3A_4 = arith.addi %mul3A_2, %add3A_3 : i32
    %multiple_of3A = tpu.assume_multiple %add3A_4, 128 : i32
    %dma_start3A = tpu.memref_slice %arg3[%multiple_of3A] : memref<131072xi32, #tpu.memory_space<hbm>> -> memref<128xi32, #tpu.memory_space<hbm>>
    %dma_start3A_5 = tpu.memref_slice %arg3[%multiple_of3A] : memref<131072xi32, #tpu.memory_space<hbm>> -> memref<128xi32, #tpu.memory_space<hbm>>
    tpu.enqueue_dma source(%dma_start3A_5 : memref<128xi32, #tpu.memory_space<hbm>>) target(%arg5 : memref<128xi32, #tpu.memory_space<vmem>>) target_semaphore(%arg9 : memref<!tpu.dma_semaphore, #tpu.memory_space<semaphore_mem>>)
    %add3A_6 = arith.constant 128 : i32
    %add3A_7 = arith.addi %mul3A_2, %add3A_6 : i32
    %multiple_of3A_8 = tpu.assume_multiple %add3A_7, 128 : i32
    %dma_start3A_9 = tpu.memref_slice %arg3[%multiple_of3A_8] : memref<131072xi32, #tpu.memory_space<hbm>> -> memref<128xi32, #tpu.memory_space<hbm>>
    %dma_start3A_10 = tpu.memref_slice %arg3[%multiple_of3A_8] : memref<131072xi32, #tpu.memory_space<hbm>> -> memref<128xi32, #tpu.memory_space<hbm>>
    tpu.enqueue_dma source(%dma_start3A_10 : memref<128xi32, #tpu.memory_space<hbm>>) target(%arg6 : memref<128xi32, #tpu.memory_space<vmem>>) target_semaphore(%arg10 : memref<!tpu.dma_semaphore, #tpu.memory_space<semaphore_mem>>)
    %scan3A = arith.constant 0 : i32
    %scan3A_11 = arith.constant 0 : i32
    %scan3A_12 = arith.constant 16 : i32
    %scan3A_13 = arith.addi %scan3A_11, %scan3A_12 : i32
    %scan3A_14 = arith.constant 1 : i32
    scf.for %scan3A_29 = %scan3A_11 to %scan3A_13 step %scan3A_14  : i32 {
      %mul3A_30 = arith.constant 2 : i32
      %mul3A_31 = arith.muli %scan3A_29, %mul3A_30 : i32
      %add3A_32 = arith.constant 0 : i32
      %add3A_33 = arith.addi %mul3A_31, %add3A_32 : i32
      %mul3A_34 = arith.constant 128 : i32
      %mul3A_35 = arith.muli %add3A_33, %mul3A_34 : i32
      %add3A_36 = arith.addi %mul3A_2, %mul3A_35 : i32
      %multiple_of3A_37 = tpu.assume_multiple %add3A_36, 128 : i32
      %gt3A = arith.constant 0 : i32
      %gt3A_38 = arith.cmpi sgt, %scan3A_29, %gt3A : i32
      %convert_element_type3A = arith.extui %gt3A_38 : i1 to i32
      %cond3A = arith.constant 0 : i32
      %cond3A_39 = arith.cmpi ne, %convert_element_type3A, %cond3A : i32
      scf.if %cond3A_39 {
        %sub3A = arith.constant 2 : i32
        %sub3A_90 = arith.subi %add3A_33, %sub3A : i32
        %mul3A_91 = arith.constant 128 : i32
        %mul3A_92 = arith.muli %sub3A_90, %mul3A_91 : i32
        %add3A_93 = arith.addi %mul3A_2, %mul3A_92 : i32
        %multiple_of3A_94 = tpu.assume_multiple %add3A_93, 128 : i32
        %dma_wait3A_95 = arith.constant 0 : i32
        %dma_wait3A_96 = tpu.memref_slice %arg4[%multiple_of3A_94, %dma_wait3A_95] : memref<131072x256xf32, #tpu.memory_space<hbm>> -> memref<128x256xf32, #tpu.memory_space<hbm>>
        %dma_wait3A_97 = arith.constant 0 : i32
        %dma_wait3A_98 = tpu.memref_slice %arg4[%multiple_of3A_94, %dma_wait3A_97] : memref<131072x256xf32, #tpu.memory_space<hbm>> -> memref<128x256xf32, #tpu.memory_space<hbm>>
        tpu.wait_dma2 semaphore(%arg13 : memref<!tpu.dma_semaphore, #tpu.memory_space<semaphore_mem>>) src(%arg7 : memref<128x256xf32, #tpu.memory_space<vmem>>) dst(%dma_wait3A_98 : memref<128x256xf32, #tpu.memory_space<hbm>>)
      } else {
      }
      %dma_wait3A_40 = tpu.memref_slice %arg3[%multiple_of3A_37] : memref<131072xi32, #tpu.memory_space<hbm>> -> memref<128xi32, #tpu.memory_space<hbm>>
      %dma_wait3A_41 = tpu.memref_slice %arg3[%multiple_of3A_37] : memref<131072xi32, #tpu.memory_space<hbm>> -> memref<128xi32, #tpu.memory_space<hbm>>
      tpu.wait_dma2 semaphore(%arg9 : memref<!tpu.dma_semaphore, #tpu.memory_space<semaphore_mem>>) src(%dma_wait3A_41 : memref<128xi32, #tpu.memory_space<hbm>>) dst(%arg5 : memref<128xi32, #tpu.memory_space<vmem>>)
      %dma_start3A_42 = arith.constant 0 : i32
      %dma_start3A_43 = arith.constant 0 : i32
      %dma_start3A_44 = tpu.memref_slice %arg2[%dma_start3A_42, %dma_start3A_43] : memref<16384x256xf32, #tpu.memory_space<hbm>> -> memref<16384x256xf32, #tpu.memory_space<hbm>>
      tpu.enqueue_indirect_dma source(%dma_start3A_44 : memref<16384x256xf32, #tpu.memory_space<hbm>>) target(%arg7 : memref<128x256xf32, #tpu.memory_space<vmem>>) offsets(%arg5 : memref<128xi32, #tpu.memory_space<vmem>>) semaphore(%arg11 : memref<!tpu.dma_semaphore, #tpu.memory_space<semaphore_mem>>)
      %dma_wait3A_45 = arith.constant 0 : i32
      %dma_wait3A_46 = arith.constant 0 : i32
      %dma_wait3A_47 = tpu.memref_slice %arg2[%dma_wait3A_45, %dma_wait3A_46] : memref<16384x256xf32, #tpu.memory_space<hbm>> -> memref<16384x256xf32, #tpu.memory_space<hbm>>
      tpu.wait_indirect_dma semaphore(%arg11 : memref<!tpu.dma_semaphore, #tpu.memory_space<semaphore_mem>>) src(%dma_wait3A_47 : memref<16384x256xf32, #tpu.memory_space<hbm>>) dst(%arg7 : memref<128x256xf32, #tpu.memory_space<vmem>>)
      %add3A_48 = arith.constant 2 : i32
      %add3A_49 = arith.addi %add3A_33, %add3A_48 : i32
      %lt3A = arith.constant 32 : i32
      %lt3A_50 = arith.cmpi slt, %add3A_49, %lt3A : i32
      %convert_element_type3A_51 = arith.extui %lt3A_50 : i1 to i32
      %cond3A_52 = arith.constant 0 : i32
      %cond3A_53 = arith.cmpi ne, %convert_element_type3A_51, %cond3A_52 : i32
      scf.if %cond3A_53 {
        %add3A_90 = arith.constant 2 : i32
        %add3A_91 = arith.addi %add3A_33, %add3A_90 : i32
        %mul3A_92 = arith.constant 128 : i32
        %mul3A_93 = arith.muli %add3A_91, %mul3A_92 : i32
        %add3A_94 = arith.addi %mul3A_2, %mul3A_93 : i32
        %multiple_of3A_95 = tpu.assume_multiple %add3A_94, 128 : i32
        %dma_start3A_96 = tpu.memref_slice %arg3[%multiple_of3A_95] : memref<131072xi32, #tpu.memory_space<hbm>> -> memref<128xi32, #tpu.memory_space<hbm>>
        %dma_start3A_97 = tpu.memref_slice %arg3[%multiple_of3A_95] : memref<131072xi32, #tpu.memory_space<hbm>> -> memref<128xi32, #tpu.memory_space<hbm>>
        tpu.enqueue_dma source(%dma_start3A_97 : memref<128xi32, #tpu.memory_space<hbm>>) target(%arg5 : memref<128xi32, #tpu.memory_space<vmem>>) target_semaphore(%arg9 : memref<!tpu.dma_semaphore, #tpu.memory_space<semaphore_mem>>)
      } else {
      }
      %dma_start3A_54 = arith.constant 0 : i32
      %dma_start3A_55 = tpu.memref_slice %arg4[%multiple_of3A_37, %dma_start3A_54] : memref<131072x256xf32, #tpu.memory_space<hbm>> -> memref<128x256xf32, #tpu.memory_space<hbm>>
      %dma_start3A_56 = arith.constant 0 : i32
      %dma_start3A_57 = tpu.memref_slice %arg4[%multiple_of3A_37, %dma_start3A_56] : memref<131072x256xf32, #tpu.memory_space<hbm>> -> memref<128x256xf32, #tpu.memory_space<hbm>>
      tpu.enqueue_dma source(%arg7 : memref<128x256xf32, #tpu.memory_space<vmem>>) target(%dma_start3A_57 : memref<128x256xf32, #tpu.memory_space<hbm>>) target_semaphore(%arg13 : memref<!tpu.dma_semaphore, #tpu.memory_space<semaphore_mem>>)
      %mul3A_58 = arith.constant 2 : i32
      %mul3A_59 = arith.muli %scan3A_29, %mul3A_58 : i32
      %add3A_60 = arith.constant 1 : i32
      %add3A_61 = arith.addi %mul3A_59, %add3A_60 : i32
      %mul3A_62 = arith.constant 128 : i32
      %mul3A_63 = arith.muli %add3A_61, %mul3A_62 : i32
      %add3A_64 = arith.addi %mul3A_2, %mul3A_63 : i32
      %multiple_of3A_65 = tpu.assume_multiple %add3A_64, 128 : i32
      %gt3A_66 = arith.constant 0 : i32
      %gt3A_67 = arith.cmpi sgt, %scan3A_29, %gt3A_66 : i32
      %convert_element_type3A_68 = arith.extui %gt3A_67 : i1 to i32
      %cond3A_69 = arith.constant 0 : i32
      %cond3A_70 = arith.cmpi ne, %convert_element_type3A_68, %cond3A_69 : i32
      scf.if %cond3A_70 {
        %sub3A = arith.constant 2 : i32
        %sub3A_90 = arith.subi %add3A_61, %sub3A : i32
        %mul3A_91 = arith.constant 128 : i32
        %mul3A_92 = arith.muli %sub3A_90, %mul3A_91 : i32
        %add3A_93 = arith.addi %mul3A_2, %mul3A_92 : i32
        %multiple_of3A_94 = tpu.assume_multiple %add3A_93, 128 : i32
        %dma_wait3A_95 = arith.constant 0 : i32
        %dma_wait3A_96 = tpu.memref_slice %arg4[%multiple_of3A_94, %dma_wait3A_95] : memref<131072x256xf32, #tpu.memory_space<hbm>> -> memref<128x256xf32, #tpu.memory_space<hbm>>
        %dma_wait3A_97 = arith.constant 0 : i32
        %dma_wait3A_98 = tpu.memref_slice %arg4[%multiple_of3A_94, %dma_wait3A_97] : memref<131072x256xf32, #tpu.memory_space<hbm>> -> memref<128x256xf32, #tpu.memory_space<hbm>>
        tpu.wait_dma2 semaphore(%arg14 : memref<!tpu.dma_semaphore, #tpu.memory_space<semaphore_mem>>) src(%arg8 : memref<128x256xf32, #tpu.memory_space<vmem>>) dst(%dma_wait3A_98 : memref<128x256xf32, #tpu.memory_space<hbm>>)
      } else {
      }
      %dma_wait3A_71 = tpu.memref_slice %arg3[%multiple_of3A_65] : memref<131072xi32, #tpu.memory_space<hbm>> -> memref<128xi32, #tpu.memory_space<hbm>>
      %dma_wait3A_72 = tpu.memref_slice %arg3[%multiple_of3A_65] : memref<131072xi32, #tpu.memory_space<hbm>> -> memref<128xi32, #tpu.memory_space<hbm>>
      tpu.wait_dma2 semaphore(%arg10 : memref<!tpu.dma_semaphore, #tpu.memory_space<semaphore_mem>>) src(%dma_wait3A_72 : memref<128xi32, #tpu.memory_space<hbm>>) dst(%arg6 : memref<128xi32, #tpu.memory_space<vmem>>)
      %dma_start3A_73 = arith.constant 0 : i32
      %dma_start3A_74 = arith.constant 0 : i32
      %dma_start3A_75 = tpu.memref_slice %arg2[%dma_start3A_73, %dma_start3A_74] : memref<16384x256xf32, #tpu.memory_space<hbm>> -> memref<16384x256xf32, #tpu.memory_space<hbm>>
      tpu.enqueue_indirect_dma source(%dma_start3A_75 : memref<16384x256xf32, #tpu.memory_space<hbm>>) target(%arg8 : memref<128x256xf32, #tpu.memory_space<vmem>>) offsets(%arg6 : memref<128xi32, #tpu.memory_space<vmem>>) semaphore(%arg12 : memref<!tpu.dma_semaphore, #tpu.memory_space<semaphore_mem>>)
      %dma_wait3A_76 = arith.constant 0 : i32
      %dma_wait3A_77 = arith.constant 0 : i32
      %dma_wait3A_78 = tpu.memref_slice %arg2[%dma_wait3A_76, %dma_wait3A_77] : memref<16384x256xf32, #tpu.memory_space<hbm>> -> memref<16384x256xf32, #tpu.memory_space<hbm>>
      tpu.wait_indirect_dma semaphore(%arg12 : memref<!tpu.dma_semaphore, #tpu.memory_space<semaphore_mem>>) src(%dma_wait3A_78 : memref<16384x256xf32, #tpu.memory_space<hbm>>) dst(%arg8 : memref<128x256xf32, #tpu.memory_space<vmem>>)
      %add3A_79 = arith.constant 2 : i32
      %add3A_80 = arith.addi %add3A_61, %add3A_79 : i32
      %lt3A_81 = arith.constant 32 : i32
      %lt3A_82 = arith.cmpi slt, %add3A_80, %lt3A_81 : i32
      %convert_element_type3A_83 = arith.extui %lt3A_82 : i1 to i32
      %cond3A_84 = arith.constant 0 : i32
      %cond3A_85 = arith.cmpi ne, %convert_element_type3A_83, %cond3A_84 : i32
      scf.if %cond3A_85 {
        %add3A_90 = arith.constant 2 : i32
        %add3A_91 = arith.addi %add3A_61, %add3A_90 : i32
        %mul3A_92 = arith.constant 128 : i32
        %mul3A_93 = arith.muli %add3A_91, %mul3A_92 : i32
        %add3A_94 = arith.addi %mul3A_2, %mul3A_93 : i32
        %multiple_of3A_95 = tpu.assume_multiple %add3A_94, 128 : i32
        %dma_start3A_96 = tpu.memref_slice %arg3[%multiple_of3A_95] : memref<131072xi32, #tpu.memory_space<hbm>> -> memref<128xi32, #tpu.memory_space<hbm>>
        %dma_start3A_97 = tpu.memref_slice %arg3[%multiple_of3A_95] : memref<131072xi32, #tpu.memory_space<hbm>> -> memref<128xi32, #tpu.memory_space<hbm>>
        tpu.enqueue_dma source(%dma_start3A_97 : memref<128xi32, #tpu.memory_space<hbm>>) target(%arg6 : memref<128xi32, #tpu.memory_space<vmem>>) target_semaphore(%arg10 : memref<!tpu.dma_semaphore, #tpu.memory_space<semaphore_mem>>)
      } else {
      }
      %dma_start3A_86 = arith.constant 0 : i32
      %dma_start3A_87 = tpu.memref_slice %arg4[%multiple_of3A_65, %dma_start3A_86] : memref<131072x256xf32, #tpu.memory_space<hbm>> -> memref<128x256xf32, #tpu.memory_space<hbm>>
      %dma_start3A_88 = arith.constant 0 : i32
      %dma_start3A_89 = tpu.memref_slice %arg4[%multiple_of3A_65, %dma_start3A_88] : memref<131072x256xf32, #tpu.memory_space<hbm>> -> memref<128x256xf32, #tpu.memory_space<hbm>>
      tpu.enqueue_dma source(%arg8 : memref<128x256xf32, #tpu.memory_space<vmem>>) target(%dma_start3A_89 : memref<128x256xf32, #tpu.memory_space<hbm>>) target_semaphore(%arg14 : memref<!tpu.dma_semaphore, #tpu.memory_space<semaphore_mem>>)
    }
    %scan3A_15 = arith.constant 16 : i32
    %add3A_16 = arith.constant 3840 : i32
    %add3A_17 = arith.addi %mul3A_2, %add3A_16 : i32
    %multiple_of3A_18 = tpu.assume_multiple %add3A_17, 128 : i32
    %dma_wait3A = arith.constant 0 : i32
    %dma_wait3A_19 = tpu.memref_slice %arg4[%multiple_of3A_18, %dma_wait3A] : memref<131072x256xf32, #tpu.memory_space<hbm>> -> memref<128x256xf32, #tpu.memory_space<hbm>>
    %dma_wait3A_20 = arith.constant 0 : i32
    %dma_wait3A_21 = tpu.memref_slice %arg4[%multiple_of3A_18, %dma_wait3A_20] : memref<131072x256xf32, #tpu.memory_space<hbm>> -> memref<128x256xf32, #tpu.memory_space<hbm>>
    tpu.wait_dma2 semaphore(%arg13 : memref<!tpu.dma_semaphore, #tpu.memory_space<semaphore_mem>>) src(%arg7 : memref<128x256xf32, #tpu.memory_space<vmem>>) dst(%dma_wait3A_21 : memref<128x256xf32, #tpu.memory_space<hbm>>)
    %add3A_22 = arith.constant 3968 : i32
    %add3A_23 = arith.addi %mul3A_2, %add3A_22 : i32
    %multiple_of3A_24 = tpu.assume_multiple %add3A_23, 128 : i32
    %dma_wait3A_25 = arith.constant 0 : i32
    %dma_wait3A_26 = tpu.memref_slice %arg4[%multiple_of3A_24, %dma_wait3A_25] : memref<131072x256xf32, #tpu.memory_space<hbm>> -> memref<128x256xf32, #tpu.memory_space<hbm>>
    %dma_wait3A_27 = arith.constant 0 : i32
    %dma_wait3A_28 = tpu.memref_slice %arg4[%multiple_of3A_24, %dma_wait3A_27] : memref<131072x256xf32, #tpu.memory_space<hbm>> -> memref<128x256xf32, #tpu.memory_space<hbm>>
    tpu.wait_dma2 semaphore(%arg14 : memref<!tpu.dma_semaphore, #tpu.memory_space<semaphore_mem>>) src(%arg8 : memref<128x256xf32, #tpu.memory_space<vmem>>) dst(%dma_wait3A_28 : memref<128x256xf32, #tpu.memory_space<hbm>>)
    return
  }
}

module attributes {stable_mosaic.version = 14 : i64} {
  func.func @_topk_body(%arg0: i32, %arg1: i32, %arg2: memref<1x256x4096xf32, #tpu.memory_space<vmem>>, %arg3: memref<1x256x16xi32, #tpu.memory_space<vmem>>) attributes {dimension_semantics = [#tpu.dimension_semantics<arbitrary>, #tpu.dimension_semantics<arbitrary>], iteration_bounds = array<i64: 4, 8>, scalar_prefetch = 0 : i64, scratch_operands = 0 : i64, tpu.core_type = #tpu.core_type<tc>, window_params = [{transform_indices = @transform_0, window_bounds = array<i64: 1, 256, 4096>}, {transform_indices = @transform_1, window_bounds = array<i64: 1, 256, 16>}]} {
    %iota3A = tpu.iota {dimensions = array<i32: 1>} : vector<256x128xi32>
    %convert_element_type3A = arith.sitofp %iota3A : vector<256x128xi32> to vector<256x128xf32>
    %iota3A_0 = tpu.iota {dimensions = array<i32: 1>} : vector<256x32xi32>
    %convert_element_type3A_1 = arith.sitofp %iota3A_0 : vector<256x32xi32> to vector<256x32xf32>
    %iota3A_2 = tpu.iota {dimensions = array<i32: 1>} : vector<256x16xi32>
    %convert_element_type3A_3 = arith.sitofp %iota3A_2 : vector<256x16xi32> to vector<256x16xf32>
    %get3A = arith.constant 0 : index
    %get3A_4 = arith.constant 0 : index
    %get3A_5 = arith.constant 0 : index
    %get3A_6 = vector.load %arg2[%get3A, %get3A_4, %get3A_5] : memref<1x256x4096xf32, #tpu.memory_space<vmem>>, vector<1x256x128xf32>
    %get3A_7 = vector.shape_cast %get3A_6 : vector<1x256x128xf32> to vector<256x128xf32>
    %reduce_min3A = arith.constant dense<0x7F800000> : vector<256xf32>
    %reduce_min3A_8 = vector.multi_reduction <minimumf>, %get3A_7, %reduce_min3A [1] : vector<256x128xf32> to vector<256xf32>
    %broadcast_in_dim3A = vector.shape_cast %reduce_min3A_8 : vector<256xf32> to vector<256x1xf32>
    %eq3A = vector.broadcast %broadcast_in_dim3A : vector<256x1xf32> to vector<256x128xf32>
    %eq3A_9 = arith.cmpf oeq, %get3A_7, %eq3A : vector<256x128xf32>
    %jit3A = arith.constant 1.280000e+02 : f32
    %broadcast_in_dim3A_10 = vector.broadcast %jit3A : f32 to vector<256x128xf32>
    %select_n3A = arith.select %eq3A_9, %convert_element_type3A, %broadcast_in_dim3A_10 : vector<256x128xi1>, vector<256x128xf32>
    %reduce_min3A_11 = arith.constant dense<0x7F800000> : vector<256xf32>
    %reduce_min3A_12 = vector.multi_reduction <minimumf>, %select_n3A, %reduce_min3A_11 [1] : vector<256x128xf32> to vector<256xf32>
    %broadcast_in_dim3A_13 = vector.shape_cast %reduce_min3A_12 : vector<256xf32> to vector<256x1xf32>
    %add3A = arith.constant 0.000000e+00 : f32
    %add3A_14 = vector.broadcast %add3A : f32 to vector<256x1xf32>
    %add3A_15 = arith.addf %broadcast_in_dim3A_13, %add3A_14 : vector<256x1xf32>
    %get3A_16 = arith.constant 0 : index
    %get3A_17 = arith.constant 0 : index
    %get3A_18 = arith.constant 128 : index
    %get3A_19 = vector.load %arg2[%get3A_16, %get3A_17, %get3A_18] : memref<1x256x4096xf32, #tpu.memory_space<vmem>>, vector<1x256x128xf32>
    %get3A_20 = vector.shape_cast %get3A_19 : vector<1x256x128xf32> to vector<256x128xf32>
    %reduce_min3A_21 = arith.constant dense<0x7F800000> : vector<256xf32>
    %reduce_min3A_22 = vector.multi_reduction <minimumf>, %get3A_20, %reduce_min3A_21 [1] : vector<256x128xf32> to vector<256xf32>
    %broadcast_in_dim3A_23 = vector.shape_cast %reduce_min3A_22 : vector<256xf32> to vector<256x1xf32>
    %eq3A_24 = vector.broadcast %broadcast_in_dim3A_23 : vector<256x1xf32> to vector<256x128xf32>
    %eq3A_25 = arith.cmpf oeq, %get3A_20, %eq3A_24 : vector<256x128xf32>
    %jit3A_26 = arith.constant 1.280000e+02 : f32
    %broadcast_in_dim3A_27 = vector.broadcast %jit3A_26 : f32 to vector<256x128xf32>
    %select_n3A_28 = arith.select %eq3A_25, %convert_element_type3A, %broadcast_in_dim3A_27 : vector<256x128xi1>, vector<256x128xf32>
    %reduce_min3A_29 = arith.constant dense<0x7F800000> : vector<256xf32>
    %reduce_min3A_30 = vector.multi_reduction <minimumf>, %select_n3A_28, %reduce_min3A_29 [1] : vector<256x128xf32> to vector<256xf32>
    %broadcast_in_dim3A_31 = vector.shape_cast %reduce_min3A_30 : vector<256xf32> to vector<256x1xf32>
    %add3A_32 = arith.constant 1.280000e+02 : f32
    %add3A_33 = vector.broadcast %add3A_32 : f32 to vector<256x1xf32>
    %add3A_34 = arith.addf %broadcast_in_dim3A_31, %add3A_33 : vector<256x1xf32>
    %get3A_35 = arith.constant 0 : index
    %get3A_36 = arith.constant 0 : index
    %get3A_37 = arith.constant 256 : index
    %get3A_38 = vector.load %arg2[%get3A_35, %get3A_36, %get3A_37] : memref<1x256x4096xf32, #tpu.memory_space<vmem>>, vector<1x256x128xf32>
    %get3A_39 = vector.shape_cast %get3A_38 : vector<1x256x128xf32> to vector<256x128xf32>
    %reduce_min3A_40 = arith.constant dense<0x7F800000> : vector<256xf32>
    %reduce_min3A_41 = vector.multi_reduction <minimumf>, %get3A_39, %reduce_min3A_40 [1] : vector<256x128xf32> to vector<256xf32>
    %broadcast_in_dim3A_42 = vector.shape_cast %reduce_min3A_41 : vector<256xf32> to vector<256x1xf32>
    %eq3A_43 = vector.broadcast %broadcast_in_dim3A_42 : vector<256x1xf32> to vector<256x128xf32>
    %eq3A_44 = arith.cmpf oeq, %get3A_39, %eq3A_43 : vector<256x128xf32>
    %jit3A_45 = arith.constant 1.280000e+02 : f32
    %broadcast_in_dim3A_46 = vector.broadcast %jit3A_45 : f32 to vector<256x128xf32>
    %select_n3A_47 = arith.select %eq3A_44, %convert_element_type3A, %broadcast_in_dim3A_46 : vector<256x128xi1>, vector<256x128xf32>
    %reduce_min3A_48 = arith.constant dense<0x7F800000> : vector<256xf32>
    %reduce_min3A_49 = vector.multi_reduction <minimumf>, %select_n3A_47, %reduce_min3A_48 [1] : vector<256x128xf32> to vector<256xf32>
    %broadcast_in_dim3A_50 = vector.shape_cast %reduce_min3A_49 : vector<256xf32> to vector<256x1xf32>
    %add3A_51 = arith.constant 2.560000e+02 : f32
    %add3A_52 = vector.broadcast %add3A_51 : f32 to vector<256x1xf32>
    %add3A_53 = arith.addf %broadcast_in_dim3A_50, %add3A_52 : vector<256x1xf32>
    %get3A_54 = arith.constant 0 : index
    %get3A_55 = arith.constant 0 : index
    %get3A_56 = arith.constant 384 : index
    %get3A_57 = vector.load %arg2[%get3A_54, %get3A_55, %get3A_56] : memref<1x256x4096xf32, #tpu.memory_space<vmem>>, vector<1x256x128xf32>
    %get3A_58 = vector.shape_cast %get3A_57 : vector<1x256x128xf32> to vector<256x128xf32>
    %reduce_min3A_59 = arith.constant dense<0x7F800000> : vector<256xf32>
    %reduce_min3A_60 = vector.multi_reduction <minimumf>, %get3A_58, %reduce_min3A_59 [1] : vector<256x128xf32> to vector<256xf32>
    %broadcast_in_dim3A_61 = vector.shape_cast %reduce_min3A_60 : vector<256xf32> to vector<256x1xf32>
    %eq3A_62 = vector.broadcast %broadcast_in_dim3A_61 : vector<256x1xf32> to vector<256x128xf32>
    %eq3A_63 = arith.cmpf oeq, %get3A_58, %eq3A_62 : vector<256x128xf32>
    %jit3A_64 = arith.constant 1.280000e+02 : f32
    %broadcast_in_dim3A_65 = vector.broadcast %jit3A_64 : f32 to vector<256x128xf32>
    %select_n3A_66 = arith.select %eq3A_63, %convert_element_type3A, %broadcast_in_dim3A_65 : vector<256x128xi1>, vector<256x128xf32>
    %reduce_min3A_67 = arith.constant dense<0x7F800000> : vector<256xf32>
    %reduce_min3A_68 = vector.multi_reduction <minimumf>, %select_n3A_66, %reduce_min3A_67 [1] : vector<256x128xf32> to vector<256xf32>
    %broadcast_in_dim3A_69 = vector.shape_cast %reduce_min3A_68 : vector<256xf32> to vector<256x1xf32>
    %add3A_70 = arith.constant 3.840000e+02 : f32
    %add3A_71 = vector.broadcast %add3A_70 : f32 to vector<256x1xf32>
    %add3A_72 = arith.addf %broadcast_in_dim3A_69, %add3A_71 : vector<256x1xf32>
    %get3A_73 = arith.constant 0 : index
    %get3A_74 = arith.constant 0 : index
    %get3A_75 = arith.constant 512 : index
    %get3A_76 = vector.load %arg2[%get3A_73, %get3A_74, %get3A_75] : memref<1x256x4096xf32, #tpu.memory_space<vmem>>, vector<1x256x128xf32>
    %get3A_77 = vector.shape_cast %get3A_76 : vector<1x256x128xf32> to vector<256x128xf32>
    %reduce_min3A_78 = arith.constant dense<0x7F800000> : vector<256xf32>
    %reduce_min3A_79 = vector.multi_reduction <minimumf>, %get3A_77, %reduce_min3A_78 [1] : vector<256x128xf32> to vector<256xf32>
    %broadcast_in_dim3A_80 = vector.shape_cast %reduce_min3A_79 : vector<256xf32> to vector<256x1xf32>
    %eq3A_81 = vector.broadcast %broadcast_in_dim3A_80 : vector<256x1xf32> to vector<256x128xf32>
    %eq3A_82 = arith.cmpf oeq, %get3A_77, %eq3A_81 : vector<256x128xf32>
    %jit3A_83 = arith.constant 1.280000e+02 : f32
    %broadcast_in_dim3A_84 = vector.broadcast %jit3A_83 : f32 to vector<256x128xf32>
    %select_n3A_85 = arith.select %eq3A_82, %convert_element_type3A, %broadcast_in_dim3A_84 : vector<256x128xi1>, vector<256x128xf32>
    %reduce_min3A_86 = arith.constant dense<0x7F800000> : vector<256xf32>
    %reduce_min3A_87 = vector.multi_reduction <minimumf>, %select_n3A_85, %reduce_min3A_86 [1] : vector<256x128xf32> to vector<256xf32>
    %broadcast_in_dim3A_88 = vector.shape_cast %reduce_min3A_87 : vector<256xf32> to vector<256x1xf32>
    %add3A_89 = arith.constant 5.120000e+02 : f32
    %add3A_90 = vector.broadcast %add3A_89 : f32 to vector<256x1xf32>
    %add3A_91 = arith.addf %broadcast_in_dim3A_88, %add3A_90 : vector<256x1xf32>
    %get3A_92 = arith.constant 0 : index
    %get3A_93 = arith.constant 0 : index
    %get3A_94 = arith.constant 640 : index
    %get3A_95 = vector.load %arg2[%get3A_92, %get3A_93, %get3A_94] : memref<1x256x4096xf32, #tpu.memory_space<vmem>>, vector<1x256x128xf32>
    %get3A_96 = vector.shape_cast %get3A_95 : vector<1x256x128xf32> to vector<256x128xf32>
    %reduce_min3A_97 = arith.constant dense<0x7F800000> : vector<256xf32>
    %reduce_min3A_98 = vector.multi_reduction <minimumf>, %get3A_96, %reduce_min3A_97 [1] : vector<256x128xf32> to vector<256xf32>
    %broadcast_in_dim3A_99 = vector.shape_cast %reduce_min3A_98 : vector<256xf32> to vector<256x1xf32>
    %eq3A_100 = vector.broadcast %broadcast_in_dim3A_99 : vector<256x1xf32> to vector<256x128xf32>
    %eq3A_101 = arith.cmpf oeq, %get3A_96, %eq3A_100 : vector<256x128xf32>
    %jit3A_102 = arith.constant 1.280000e+02 : f32
    %broadcast_in_dim3A_103 = vector.broadcast %jit3A_102 : f32 to vector<256x128xf32>
    %select_n3A_104 = arith.select %eq3A_101, %convert_element_type3A, %broadcast_in_dim3A_103 : vector<256x128xi1>, vector<256x128xf32>
    %reduce_min3A_105 = arith.constant dense<0x7F800000> : vector<256xf32>
    %reduce_min3A_106 = vector.multi_reduction <minimumf>, %select_n3A_104, %reduce_min3A_105 [1] : vector<256x128xf32> to vector<256xf32>
    %broadcast_in_dim3A_107 = vector.shape_cast %reduce_min3A_106 : vector<256xf32> to vector<256x1xf32>
    %add3A_108 = arith.constant 6.400000e+02 : f32
    %add3A_109 = vector.broadcast %add3A_108 : f32 to vector<256x1xf32>
    %add3A_110 = arith.addf %broadcast_in_dim3A_107, %add3A_109 : vector<256x1xf32>
    %get3A_111 = arith.constant 0 : index
    %get3A_112 = arith.constant 0 : index
    %get3A_113 = arith.constant 768 : index
    %get3A_114 = vector.load %arg2[%get3A_111, %get3A_112, %get3A_113] : memref<1x256x4096xf32, #tpu.memory_space<vmem>>, vector<1x256x128xf32>
    %get3A_115 = vector.shape_cast %get3A_114 : vector<1x256x128xf32> to vector<256x128xf32>
    %reduce_min3A_116 = arith.constant dense<0x7F800000> : vector<256xf32>
    %reduce_min3A_117 = vector.multi_reduction <minimumf>, %get3A_115, %reduce_min3A_116 [1] : vector<256x128xf32> to vector<256xf32>
    %broadcast_in_dim3A_118 = vector.shape_cast %reduce_min3A_117 : vector<256xf32> to vector<256x1xf32>
    %eq3A_119 = vector.broadcast %broadcast_in_dim3A_118 : vector<256x1xf32> to vector<256x128xf32>
    %eq3A_120 = arith.cmpf oeq, %get3A_115, %eq3A_119 : vector<256x128xf32>
    %jit3A_121 = arith.constant 1.280000e+02 : f32
    %broadcast_in_dim3A_122 = vector.broadcast %jit3A_121 : f32 to vector<256x128xf32>
    %select_n3A_123 = arith.select %eq3A_120, %convert_element_type3A, %broadcast_in_dim3A_122 : vector<256x128xi1>, vector<256x128xf32>
    %reduce_min3A_124 = arith.constant dense<0x7F800000> : vector<256xf32>
    %reduce_min3A_125 = vector.multi_reduction <minimumf>, %select_n3A_123, %reduce_min3A_124 [1] : vector<256x128xf32> to vector<256xf32>
    %broadcast_in_dim3A_126 = vector.shape_cast %reduce_min3A_125 : vector<256xf32> to vector<256x1xf32>
    %add3A_127 = arith.constant 7.680000e+02 : f32
    %add3A_128 = vector.broadcast %add3A_127 : f32 to vector<256x1xf32>
    %add3A_129 = arith.addf %broadcast_in_dim3A_126, %add3A_128 : vector<256x1xf32>
    %get3A_130 = arith.constant 0 : index
    %get3A_131 = arith.constant 0 : index
    %get3A_132 = arith.constant 896 : index
    %get3A_133 = vector.load %arg2[%get3A_130, %get3A_131, %get3A_132] : memref<1x256x4096xf32, #tpu.memory_space<vmem>>, vector<1x256x128xf32>
    %get3A_134 = vector.shape_cast %get3A_133 : vector<1x256x128xf32> to vector<256x128xf32>
    %reduce_min3A_135 = arith.constant dense<0x7F800000> : vector<256xf32>
    %reduce_min3A_136 = vector.multi_reduction <minimumf>, %get3A_134, %reduce_min3A_135 [1] : vector<256x128xf32> to vector<256xf32>
    %broadcast_in_dim3A_137 = vector.shape_cast %reduce_min3A_136 : vector<256xf32> to vector<256x1xf32>
    %eq3A_138 = vector.broadcast %broadcast_in_dim3A_137 : vector<256x1xf32> to vector<256x128xf32>
    %eq3A_139 = arith.cmpf oeq, %get3A_134, %eq3A_138 : vector<256x128xf32>
    %jit3A_140 = arith.constant 1.280000e+02 : f32
    %broadcast_in_dim3A_141 = vector.broadcast %jit3A_140 : f32 to vector<256x128xf32>
    %select_n3A_142 = arith.select %eq3A_139, %convert_element_type3A, %broadcast_in_dim3A_141 : vector<256x128xi1>, vector<256x128xf32>
    %reduce_min3A_143 = arith.constant dense<0x7F800000> : vector<256xf32>
    %reduce_min3A_144 = vector.multi_reduction <minimumf>, %select_n3A_142, %reduce_min3A_143 [1] : vector<256x128xf32> to vector<256xf32>
    %broadcast_in_dim3A_145 = vector.shape_cast %reduce_min3A_144 : vector<256xf32> to vector<256x1xf32>
    %add3A_146 = arith.constant 8.960000e+02 : f32
    %add3A_147 = vector.broadcast %add3A_146 : f32 to vector<256x1xf32>
    %add3A_148 = arith.addf %broadcast_in_dim3A_145, %add3A_147 : vector<256x1xf32>
    %get3A_149 = arith.constant 0 : index
    %get3A_150 = arith.constant 0 : index
    %get3A_151 = arith.constant 1024 : index
    %get3A_152 = vector.load %arg2[%get3A_149, %get3A_150, %get3A_151] : memref<1x256x4096xf32, #tpu.memory_space<vmem>>, vector<1x256x128xf32>
    %get3A_153 = vector.shape_cast %get3A_152 : vector<1x256x128xf32> to vector<256x128xf32>
    %reduce_min3A_154 = arith.constant dense<0x7F800000> : vector<256xf32>
    %reduce_min3A_155 = vector.multi_reduction <minimumf>, %get3A_153, %reduce_min3A_154 [1] : vector<256x128xf32> to vector<256xf32>
    %broadcast_in_dim3A_156 = vector.shape_cast %reduce_min3A_155 : vector<256xf32> to vector<256x1xf32>
    %eq3A_157 = vector.broadcast %broadcast_in_dim3A_156 : vector<256x1xf32> to vector<256x128xf32>
    %eq3A_158 = arith.cmpf oeq, %get3A_153, %eq3A_157 : vector<256x128xf32>
    %jit3A_159 = arith.constant 1.280000e+02 : f32
    %broadcast_in_dim3A_160 = vector.broadcast %jit3A_159 : f32 to vector<256x128xf32>
    %select_n3A_161 = arith.select %eq3A_158, %convert_element_type3A, %broadcast_in_dim3A_160 : vector<256x128xi1>, vector<256x128xf32>
    %reduce_min3A_162 = arith.constant dense<0x7F800000> : vector<256xf32>
    %reduce_min3A_163 = vector.multi_reduction <minimumf>, %select_n3A_161, %reduce_min3A_162 [1] : vector<256x128xf32> to vector<256xf32>
    %broadcast_in_dim3A_164 = vector.shape_cast %reduce_min3A_163 : vector<256xf32> to vector<256x1xf32>
    %add3A_165 = arith.constant 1.024000e+03 : f32
    %add3A_166 = vector.broadcast %add3A_165 : f32 to vector<256x1xf32>
    %add3A_167 = arith.addf %broadcast_in_dim3A_164, %add3A_166 : vector<256x1xf32>
    %get3A_168 = arith.constant 0 : index
    %get3A_169 = arith.constant 0 : index
    %get3A_170 = arith.constant 1152 : index
    %get3A_171 = vector.load %arg2[%get3A_168, %get3A_169, %get3A_170] : memref<1x256x4096xf32, #tpu.memory_space<vmem>>, vector<1x256x128xf32>
    %get3A_172 = vector.shape_cast %get3A_171 : vector<1x256x128xf32> to vector<256x128xf32>
    %reduce_min3A_173 = arith.constant dense<0x7F800000> : vector<256xf32>
    %reduce_min3A_174 = vector.multi_reduction <minimumf>, %get3A_172, %reduce_min3A_173 [1] : vector<256x128xf32> to vector<256xf32>
    %broadcast_in_dim3A_175 = vector.shape_cast %reduce_min3A_174 : vector<256xf32> to vector<256x1xf32>
    %eq3A_176 = vector.broadcast %broadcast_in_dim3A_175 : vector<256x1xf32> to vector<256x128xf32>
    %eq3A_177 = arith.cmpf oeq, %get3A_172, %eq3A_176 : vector<256x128xf32>
    %jit3A_178 = arith.constant 1.280000e+02 : f32
    %broadcast_in_dim3A_179 = vector.broadcast %jit3A_178 : f32 to vector<256x128xf32>
    %select_n3A_180 = arith.select %eq3A_177, %convert_element_type3A, %broadcast_in_dim3A_179 : vector<256x128xi1>, vector<256x128xf32>
    %reduce_min3A_181 = arith.constant dense<0x7F800000> : vector<256xf32>
    %reduce_min3A_182 = vector.multi_reduction <minimumf>, %select_n3A_180, %reduce_min3A_181 [1] : vector<256x128xf32> to vector<256xf32>
    %broadcast_in_dim3A_183 = vector.shape_cast %reduce_min3A_182 : vector<256xf32> to vector<256x1xf32>
    %add3A_184 = arith.constant 1.152000e+03 : f32
    %add3A_185 = vector.broadcast %add3A_184 : f32 to vector<256x1xf32>
    %add3A_186 = arith.addf %broadcast_in_dim3A_183, %add3A_185 : vector<256x1xf32>
    %get3A_187 = arith.constant 0 : index
    %get3A_188 = arith.constant 0 : index
    %get3A_189 = arith.constant 1280 : index
    %get3A_190 = vector.load %arg2[%get3A_187, %get3A_188, %get3A_189] : memref<1x256x4096xf32, #tpu.memory_space<vmem>>, vector<1x256x128xf32>
    %get3A_191 = vector.shape_cast %get3A_190 : vector<1x256x128xf32> to vector<256x128xf32>
    %reduce_min3A_192 = arith.constant dense<0x7F800000> : vector<256xf32>
    %reduce_min3A_193 = vector.multi_reduction <minimumf>, %get3A_191, %reduce_min3A_192 [1] : vector<256x128xf32> to vector<256xf32>
    %broadcast_in_dim3A_194 = vector.shape_cast %reduce_min3A_193 : vector<256xf32> to vector<256x1xf32>
    %eq3A_195 = vector.broadcast %broadcast_in_dim3A_194 : vector<256x1xf32> to vector<256x128xf32>
    %eq3A_196 = arith.cmpf oeq, %get3A_191, %eq3A_195 : vector<256x128xf32>
    %jit3A_197 = arith.constant 1.280000e+02 : f32
    %broadcast_in_dim3A_198 = vector.broadcast %jit3A_197 : f32 to vector<256x128xf32>
    %select_n3A_199 = arith.select %eq3A_196, %convert_element_type3A, %broadcast_in_dim3A_198 : vector<256x128xi1>, vector<256x128xf32>
    %reduce_min3A_200 = arith.constant dense<0x7F800000> : vector<256xf32>
    %reduce_min3A_201 = vector.multi_reduction <minimumf>, %select_n3A_199, %reduce_min3A_200 [1] : vector<256x128xf32> to vector<256xf32>
    %broadcast_in_dim3A_202 = vector.shape_cast %reduce_min3A_201 : vector<256xf32> to vector<256x1xf32>
    %add3A_203 = arith.constant 1.280000e+03 : f32
    %add3A_204 = vector.broadcast %add3A_203 : f32 to vector<256x1xf32>
    %add3A_205 = arith.addf %broadcast_in_dim3A_202, %add3A_204 : vector<256x1xf32>
    %get3A_206 = arith.constant 0 : index
    %get3A_207 = arith.constant 0 : index
    %get3A_208 = arith.constant 1408 : index
    %get3A_209 = vector.load %arg2[%get3A_206, %get3A_207, %get3A_208] : memref<1x256x4096xf32, #tpu.memory_space<vmem>>, vector<1x256x128xf32>
    %get3A_210 = vector.shape_cast %get3A_209 : vector<1x256x128xf32> to vector<256x128xf32>
    %reduce_min3A_211 = arith.constant dense<0x7F800000> : vector<256xf32>
    %reduce_min3A_212 = vector.multi_reduction <minimumf>, %get3A_210, %reduce_min3A_211 [1] : vector<256x128xf32> to vector<256xf32>
    %broadcast_in_dim3A_213 = vector.shape_cast %reduce_min3A_212 : vector<256xf32> to vector<256x1xf32>
    %eq3A_214 = vector.broadcast %broadcast_in_dim3A_213 : vector<256x1xf32> to vector<256x128xf32>
    %eq3A_215 = arith.cmpf oeq, %get3A_210, %eq3A_214 : vector<256x128xf32>
    %jit3A_216 = arith.constant 1.280000e+02 : f32
    %broadcast_in_dim3A_217 = vector.broadcast %jit3A_216 : f32 to vector<256x128xf32>
    %select_n3A_218 = arith.select %eq3A_215, %convert_element_type3A, %broadcast_in_dim3A_217 : vector<256x128xi1>, vector<256x128xf32>
    %reduce_min3A_219 = arith.constant dense<0x7F800000> : vector<256xf32>
    %reduce_min3A_220 = vector.multi_reduction <minimumf>, %select_n3A_218, %reduce_min3A_219 [1] : vector<256x128xf32> to vector<256xf32>
    %broadcast_in_dim3A_221 = vector.shape_cast %reduce_min3A_220 : vector<256xf32> to vector<256x1xf32>
    %add3A_222 = arith.constant 1.408000e+03 : f32
    %add3A_223 = vector.broadcast %add3A_222 : f32 to vector<256x1xf32>
    %add3A_224 = arith.addf %broadcast_in_dim3A_221, %add3A_223 : vector<256x1xf32>
    %get3A_225 = arith.constant 0 : index
    %get3A_226 = arith.constant 0 : index
    %get3A_227 = arith.constant 1536 : index
    %get3A_228 = vector.load %arg2[%get3A_225, %get3A_226, %get3A_227] : memref<1x256x4096xf32, #tpu.memory_space<vmem>>, vector<1x256x128xf32>
    %get3A_229 = vector.shape_cast %get3A_228 : vector<1x256x128xf32> to vector<256x128xf32>
    %reduce_min3A_230 = arith.constant dense<0x7F800000> : vector<256xf32>
    %reduce_min3A_231 = vector.multi_reduction <minimumf>, %get3A_229, %reduce_min3A_230 [1] : vector<256x128xf32> to vector<256xf32>
    %broadcast_in_dim3A_232 = vector.shape_cast %reduce_min3A_231 : vector<256xf32> to vector<256x1xf32>
    %eq3A_233 = vector.broadcast %broadcast_in_dim3A_232 : vector<256x1xf32> to vector<256x128xf32>
    %eq3A_234 = arith.cmpf oeq, %get3A_229, %eq3A_233 : vector<256x128xf32>
    %jit3A_235 = arith.constant 1.280000e+02 : f32
    %broadcast_in_dim3A_236 = vector.broadcast %jit3A_235 : f32 to vector<256x128xf32>
    %select_n3A_237 = arith.select %eq3A_234, %convert_element_type3A, %broadcast_in_dim3A_236 : vector<256x128xi1>, vector<256x128xf32>
    %reduce_min3A_238 = arith.constant dense<0x7F800000> : vector<256xf32>
    %reduce_min3A_239 = vector.multi_reduction <minimumf>, %select_n3A_237, %reduce_min3A_238 [1] : vector<256x128xf32> to vector<256xf32>
    %broadcast_in_dim3A_240 = vector.shape_cast %reduce_min3A_239 : vector<256xf32> to vector<256x1xf32>
    %add3A_241 = arith.constant 1.536000e+03 : f32
    %add3A_242 = vector.broadcast %add3A_241 : f32 to vector<256x1xf32>
    %add3A_243 = arith.addf %broadcast_in_dim3A_240, %add3A_242 : vector<256x1xf32>
    %get3A_244 = arith.constant 0 : index
    %get3A_245 = arith.constant 0 : index
    %get3A_246 = arith.constant 1664 : index
    %get3A_247 = vector.load %arg2[%get3A_244, %get3A_245, %get3A_246] : memref<1x256x4096xf32, #tpu.memory_space<vmem>>, vector<1x256x128xf32>
    %get3A_248 = vector.shape_cast %get3A_247 : vector<1x256x128xf32> to vector<256x128xf32>
    %reduce_min3A_249 = arith.constant dense<0x7F800000> : vector<256xf32>
    %reduce_min3A_250 = vector.multi_reduction <minimumf>, %get3A_248, %reduce_min3A_249 [1] : vector<256x128xf32> to vector<256xf32>
    %broadcast_in_dim3A_251 = vector.shape_cast %reduce_min3A_250 : vector<256xf32> to vector<256x1xf32>
    %eq3A_252 = vector.broadcast %broadcast_in_dim3A_251 : vector<256x1xf32> to vector<256x128xf32>
    %eq3A_253 = arith.cmpf oeq, %get3A_248, %eq3A_252 : vector<256x128xf32>
    %jit3A_254 = arith.constant 1.280000e+02 : f32
    %broadcast_in_dim3A_255 = vector.broadcast %jit3A_254 : f32 to vector<256x128xf32>
    %select_n3A_256 = arith.select %eq3A_253, %convert_element_type3A, %broadcast_in_dim3A_255 : vector<256x128xi1>, vector<256x128xf32>
    %reduce_min3A_257 = arith.constant dense<0x7F800000> : vector<256xf32>
    %reduce_min3A_258 = vector.multi_reduction <minimumf>, %select_n3A_256, %reduce_min3A_257 [1] : vector<256x128xf32> to vector<256xf32>
    %broadcast_in_dim3A_259 = vector.shape_cast %reduce_min3A_258 : vector<256xf32> to vector<256x1xf32>
    %add3A_260 = arith.constant 1.664000e+03 : f32
    %add3A_261 = vector.broadcast %add3A_260 : f32 to vector<256x1xf32>
    %add3A_262 = arith.addf %broadcast_in_dim3A_259, %add3A_261 : vector<256x1xf32>
    %get3A_263 = arith.constant 0 : index
    %get3A_264 = arith.constant 0 : index
    %get3A_265 = arith.constant 1792 : index
    %get3A_266 = vector.load %arg2[%get3A_263, %get3A_264, %get3A_265] : memref<1x256x4096xf32, #tpu.memory_space<vmem>>, vector<1x256x128xf32>
    %get3A_267 = vector.shape_cast %get3A_266 : vector<1x256x128xf32> to vector<256x128xf32>
    %reduce_min3A_268 = arith.constant dense<0x7F800000> : vector<256xf32>
    %reduce_min3A_269 = vector.multi_reduction <minimumf>, %get3A_267, %reduce_min3A_268 [1] : vector<256x128xf32> to vector<256xf32>
    %broadcast_in_dim3A_270 = vector.shape_cast %reduce_min3A_269 : vector<256xf32> to vector<256x1xf32>
    %eq3A_271 = vector.broadcast %broadcast_in_dim3A_270 : vector<256x1xf32> to vector<256x128xf32>
    %eq3A_272 = arith.cmpf oeq, %get3A_267, %eq3A_271 : vector<256x128xf32>
    %jit3A_273 = arith.constant 1.280000e+02 : f32
    %broadcast_in_dim3A_274 = vector.broadcast %jit3A_273 : f32 to vector<256x128xf32>
    %select_n3A_275 = arith.select %eq3A_272, %convert_element_type3A, %broadcast_in_dim3A_274 : vector<256x128xi1>, vector<256x128xf32>
    %reduce_min3A_276 = arith.constant dense<0x7F800000> : vector<256xf32>
    %reduce_min3A_277 = vector.multi_reduction <minimumf>, %select_n3A_275, %reduce_min3A_276 [1] : vector<256x128xf32> to vector<256xf32>
    %broadcast_in_dim3A_278 = vector.shape_cast %reduce_min3A_277 : vector<256xf32> to vector<256x1xf32>
    %add3A_279 = arith.constant 1.792000e+03 : f32
    %add3A_280 = vector.broadcast %add3A_279 : f32 to vector<256x1xf32>
    %add3A_281 = arith.addf %broadcast_in_dim3A_278, %add3A_280 : vector<256x1xf32>
    %get3A_282 = arith.constant 0 : index
    %get3A_283 = arith.constant 0 : index
    %get3A_284 = arith.constant 1920 : index
    %get3A_285 = vector.load %arg2[%get3A_282, %get3A_283, %get3A_284] : memref<1x256x4096xf32, #tpu.memory_space<vmem>>, vector<1x256x128xf32>
    %get3A_286 = vector.shape_cast %get3A_285 : vector<1x256x128xf32> to vector<256x128xf32>
    %reduce_min3A_287 = arith.constant dense<0x7F800000> : vector<256xf32>
    %reduce_min3A_288 = vector.multi_reduction <minimumf>, %get3A_286, %reduce_min3A_287 [1] : vector<256x128xf32> to vector<256xf32>
    %broadcast_in_dim3A_289 = vector.shape_cast %reduce_min3A_288 : vector<256xf32> to vector<256x1xf32>
    %eq3A_290 = vector.broadcast %broadcast_in_dim3A_289 : vector<256x1xf32> to vector<256x128xf32>
    %eq3A_291 = arith.cmpf oeq, %get3A_286, %eq3A_290 : vector<256x128xf32>
    %jit3A_292 = arith.constant 1.280000e+02 : f32
    %broadcast_in_dim3A_293 = vector.broadcast %jit3A_292 : f32 to vector<256x128xf32>
    %select_n3A_294 = arith.select %eq3A_291, %convert_element_type3A, %broadcast_in_dim3A_293 : vector<256x128xi1>, vector<256x128xf32>
    %reduce_min3A_295 = arith.constant dense<0x7F800000> : vector<256xf32>
    %reduce_min3A_296 = vector.multi_reduction <minimumf>, %select_n3A_294, %reduce_min3A_295 [1] : vector<256x128xf32> to vector<256xf32>
    %broadcast_in_dim3A_297 = vector.shape_cast %reduce_min3A_296 : vector<256xf32> to vector<256x1xf32>
    %add3A_298 = arith.constant 1.920000e+03 : f32
    %add3A_299 = vector.broadcast %add3A_298 : f32 to vector<256x1xf32>
    %add3A_300 = arith.addf %broadcast_in_dim3A_297, %add3A_299 : vector<256x1xf32>
    %get3A_301 = arith.constant 0 : index
    %get3A_302 = arith.constant 0 : index
    %get3A_303 = arith.constant 2048 : index
    %get3A_304 = vector.load %arg2[%get3A_301, %get3A_302, %get3A_303] : memref<1x256x4096xf32, #tpu.memory_space<vmem>>, vector<1x256x128xf32>
    %get3A_305 = vector.shape_cast %get3A_304 : vector<1x256x128xf32> to vector<256x128xf32>
    %reduce_min3A_306 = arith.constant dense<0x7F800000> : vector<256xf32>
    %reduce_min3A_307 = vector.multi_reduction <minimumf>, %get3A_305, %reduce_min3A_306 [1] : vector<256x128xf32> to vector<256xf32>
    %broadcast_in_dim3A_308 = vector.shape_cast %reduce_min3A_307 : vector<256xf32> to vector<256x1xf32>
    %eq3A_309 = vector.broadcast %broadcast_in_dim3A_308 : vector<256x1xf32> to vector<256x128xf32>
    %eq3A_310 = arith.cmpf oeq, %get3A_305, %eq3A_309 : vector<256x128xf32>
    %jit3A_311 = arith.constant 1.280000e+02 : f32
    %broadcast_in_dim3A_312 = vector.broadcast %jit3A_311 : f32 to vector<256x128xf32>
    %select_n3A_313 = arith.select %eq3A_310, %convert_element_type3A, %broadcast_in_dim3A_312 : vector<256x128xi1>, vector<256x128xf32>
    %reduce_min3A_314 = arith.constant dense<0x7F800000> : vector<256xf32>
    %reduce_min3A_315 = vector.multi_reduction <minimumf>, %select_n3A_313, %reduce_min3A_314 [1] : vector<256x128xf32> to vector<256xf32>
    %broadcast_in_dim3A_316 = vector.shape_cast %reduce_min3A_315 : vector<256xf32> to vector<256x1xf32>
    %add3A_317 = arith.constant 2.048000e+03 : f32
    %add3A_318 = vector.broadcast %add3A_317 : f32 to vector<256x1xf32>
    %add3A_319 = arith.addf %broadcast_in_dim3A_316, %add3A_318 : vector<256x1xf32>
    %get3A_320 = arith.constant 0 : index
    %get3A_321 = arith.constant 0 : index
    %get3A_322 = arith.constant 2176 : index
    %get3A_323 = vector.load %arg2[%get3A_320, %get3A_321, %get3A_322] : memref<1x256x4096xf32, #tpu.memory_space<vmem>>, vector<1x256x128xf32>
    %get3A_324 = vector.shape_cast %get3A_323 : vector<1x256x128xf32> to vector<256x128xf32>
    %reduce_min3A_325 = arith.constant dense<0x7F800000> : vector<256xf32>
    %reduce_min3A_326 = vector.multi_reduction <minimumf>, %get3A_324, %reduce_min3A_325 [1] : vector<256x128xf32> to vector<256xf32>
    %broadcast_in_dim3A_327 = vector.shape_cast %reduce_min3A_326 : vector<256xf32> to vector<256x1xf32>
    %eq3A_328 = vector.broadcast %broadcast_in_dim3A_327 : vector<256x1xf32> to vector<256x128xf32>
    %eq3A_329 = arith.cmpf oeq, %get3A_324, %eq3A_328 : vector<256x128xf32>
    %jit3A_330 = arith.constant 1.280000e+02 : f32
    %broadcast_in_dim3A_331 = vector.broadcast %jit3A_330 : f32 to vector<256x128xf32>
    %select_n3A_332 = arith.select %eq3A_329, %convert_element_type3A, %broadcast_in_dim3A_331 : vector<256x128xi1>, vector<256x128xf32>
    %reduce_min3A_333 = arith.constant dense<0x7F800000> : vector<256xf32>
    %reduce_min3A_334 = vector.multi_reduction <minimumf>, %select_n3A_332, %reduce_min3A_333 [1] : vector<256x128xf32> to vector<256xf32>
    %broadcast_in_dim3A_335 = vector.shape_cast %reduce_min3A_334 : vector<256xf32> to vector<256x1xf32>
    %add3A_336 = arith.constant 2.176000e+03 : f32
    %add3A_337 = vector.broadcast %add3A_336 : f32 to vector<256x1xf32>
    %add3A_338 = arith.addf %broadcast_in_dim3A_335, %add3A_337 : vector<256x1xf32>
    %get3A_339 = arith.constant 0 : index
    %get3A_340 = arith.constant 0 : index
    %get3A_341 = arith.constant 2304 : index
    %get3A_342 = vector.load %arg2[%get3A_339, %get3A_340, %get3A_341] : memref<1x256x4096xf32, #tpu.memory_space<vmem>>, vector<1x256x128xf32>
    %get3A_343 = vector.shape_cast %get3A_342 : vector<1x256x128xf32> to vector<256x128xf32>
    %reduce_min3A_344 = arith.constant dense<0x7F800000> : vector<256xf32>
    %reduce_min3A_345 = vector.multi_reduction <minimumf>, %get3A_343, %reduce_min3A_344 [1] : vector<256x128xf32> to vector<256xf32>
    %broadcast_in_dim3A_346 = vector.shape_cast %reduce_min3A_345 : vector<256xf32> to vector<256x1xf32>
    %eq3A_347 = vector.broadcast %broadcast_in_dim3A_346 : vector<256x1xf32> to vector<256x128xf32>
    %eq3A_348 = arith.cmpf oeq, %get3A_343, %eq3A_347 : vector<256x128xf32>
    %jit3A_349 = arith.constant 1.280000e+02 : f32
    %broadcast_in_dim3A_350 = vector.broadcast %jit3A_349 : f32 to vector<256x128xf32>
    %select_n3A_351 = arith.select %eq3A_348, %convert_element_type3A, %broadcast_in_dim3A_350 : vector<256x128xi1>, vector<256x128xf32>
    %reduce_min3A_352 = arith.constant dense<0x7F800000> : vector<256xf32>
    %reduce_min3A_353 = vector.multi_reduction <minimumf>, %select_n3A_351, %reduce_min3A_352 [1] : vector<256x128xf32> to vector<256xf32>
    %broadcast_in_dim3A_354 = vector.shape_cast %reduce_min3A_353 : vector<256xf32> to vector<256x1xf32>
    %add3A_355 = arith.constant 2.304000e+03 : f32
    %add3A_356 = vector.broadcast %add3A_355 : f32 to vector<256x1xf32>
    %add3A_357 = arith.addf %broadcast_in_dim3A_354, %add3A_356 : vector<256x1xf32>
    %get3A_358 = arith.constant 0 : index
    %get3A_359 = arith.constant 0 : index
    %get3A_360 = arith.constant 2432 : index
    %get3A_361 = vector.load %arg2[%get3A_358, %get3A_359, %get3A_360] : memref<1x256x4096xf32, #tpu.memory_space<vmem>>, vector<1x256x128xf32>
    %get3A_362 = vector.shape_cast %get3A_361 : vector<1x256x128xf32> to vector<256x128xf32>
    %reduce_min3A_363 = arith.constant dense<0x7F800000> : vector<256xf32>
    %reduce_min3A_364 = vector.multi_reduction <minimumf>, %get3A_362, %reduce_min3A_363 [1] : vector<256x128xf32> to vector<256xf32>
    %broadcast_in_dim3A_365 = vector.shape_cast %reduce_min3A_364 : vector<256xf32> to vector<256x1xf32>
    %eq3A_366 = vector.broadcast %broadcast_in_dim3A_365 : vector<256x1xf32> to vector<256x128xf32>
    %eq3A_367 = arith.cmpf oeq, %get3A_362, %eq3A_366 : vector<256x128xf32>
    %jit3A_368 = arith.constant 1.280000e+02 : f32
    %broadcast_in_dim3A_369 = vector.broadcast %jit3A_368 : f32 to vector<256x128xf32>
    %select_n3A_370 = arith.select %eq3A_367, %convert_element_type3A, %broadcast_in_dim3A_369 : vector<256x128xi1>, vector<256x128xf32>
    %reduce_min3A_371 = arith.constant dense<0x7F800000> : vector<256xf32>
    %reduce_min3A_372 = vector.multi_reduction <minimumf>, %select_n3A_370, %reduce_min3A_371 [1] : vector<256x128xf32> to vector<256xf32>
    %broadcast_in_dim3A_373 = vector.shape_cast %reduce_min3A_372 : vector<256xf32> to vector<256x1xf32>
    %add3A_374 = arith.constant 2.432000e+03 : f32
    %add3A_375 = vector.broadcast %add3A_374 : f32 to vector<256x1xf32>
    %add3A_376 = arith.addf %broadcast_in_dim3A_373, %add3A_375 : vector<256x1xf32>
    %get3A_377 = arith.constant 0 : index
    %get3A_378 = arith.constant 0 : index
    %get3A_379 = arith.constant 2560 : index
    %get3A_380 = vector.load %arg2[%get3A_377, %get3A_378, %get3A_379] : memref<1x256x4096xf32, #tpu.memory_space<vmem>>, vector<1x256x128xf32>
    %get3A_381 = vector.shape_cast %get3A_380 : vector<1x256x128xf32> to vector<256x128xf32>
    %reduce_min3A_382 = arith.constant dense<0x7F800000> : vector<256xf32>
    %reduce_min3A_383 = vector.multi_reduction <minimumf>, %get3A_381, %reduce_min3A_382 [1] : vector<256x128xf32> to vector<256xf32>
    %broadcast_in_dim3A_384 = vector.shape_cast %reduce_min3A_383 : vector<256xf32> to vector<256x1xf32>
    %eq3A_385 = vector.broadcast %broadcast_in_dim3A_384 : vector<256x1xf32> to vector<256x128xf32>
    %eq3A_386 = arith.cmpf oeq, %get3A_381, %eq3A_385 : vector<256x128xf32>
    %jit3A_387 = arith.constant 1.280000e+02 : f32
    %broadcast_in_dim3A_388 = vector.broadcast %jit3A_387 : f32 to vector<256x128xf32>
    %select_n3A_389 = arith.select %eq3A_386, %convert_element_type3A, %broadcast_in_dim3A_388 : vector<256x128xi1>, vector<256x128xf32>
    %reduce_min3A_390 = arith.constant dense<0x7F800000> : vector<256xf32>
    %reduce_min3A_391 = vector.multi_reduction <minimumf>, %select_n3A_389, %reduce_min3A_390 [1] : vector<256x128xf32> to vector<256xf32>
    %broadcast_in_dim3A_392 = vector.shape_cast %reduce_min3A_391 : vector<256xf32> to vector<256x1xf32>
    %add3A_393 = arith.constant 2.560000e+03 : f32
    %add3A_394 = vector.broadcast %add3A_393 : f32 to vector<256x1xf32>
    %add3A_395 = arith.addf %broadcast_in_dim3A_392, %add3A_394 : vector<256x1xf32>
    %get3A_396 = arith.constant 0 : index
    %get3A_397 = arith.constant 0 : index
    %get3A_398 = arith.constant 2688 : index
    %get3A_399 = vector.load %arg2[%get3A_396, %get3A_397, %get3A_398] : memref<1x256x4096xf32, #tpu.memory_space<vmem>>, vector<1x256x128xf32>
    %get3A_400 = vector.shape_cast %get3A_399 : vector<1x256x128xf32> to vector<256x128xf32>
    %reduce_min3A_401 = arith.constant dense<0x7F800000> : vector<256xf32>
    %reduce_min3A_402 = vector.multi_reduction <minimumf>, %get3A_400, %reduce_min3A_401 [1] : vector<256x128xf32> to vector<256xf32>
    %broadcast_in_dim3A_403 = vector.shape_cast %reduce_min3A_402 : vector<256xf32> to vector<256x1xf32>
    %eq3A_404 = vector.broadcast %broadcast_in_dim3A_403 : vector<256x1xf32> to vector<256x128xf32>
    %eq3A_405 = arith.cmpf oeq, %get3A_400, %eq3A_404 : vector<256x128xf32>
    %jit3A_406 = arith.constant 1.280000e+02 : f32
    %broadcast_in_dim3A_407 = vector.broadcast %jit3A_406 : f32 to vector<256x128xf32>
    %select_n3A_408 = arith.select %eq3A_405, %convert_element_type3A, %broadcast_in_dim3A_407 : vector<256x128xi1>, vector<256x128xf32>
    %reduce_min3A_409 = arith.constant dense<0x7F800000> : vector<256xf32>
    %reduce_min3A_410 = vector.multi_reduction <minimumf>, %select_n3A_408, %reduce_min3A_409 [1] : vector<256x128xf32> to vector<256xf32>
    %broadcast_in_dim3A_411 = vector.shape_cast %reduce_min3A_410 : vector<256xf32> to vector<256x1xf32>
    %add3A_412 = arith.constant 2.688000e+03 : f32
    %add3A_413 = vector.broadcast %add3A_412 : f32 to vector<256x1xf32>
    %add3A_414 = arith.addf %broadcast_in_dim3A_411, %add3A_413 : vector<256x1xf32>
    %get3A_415 = arith.constant 0 : index
    %get3A_416 = arith.constant 0 : index
    %get3A_417 = arith.constant 2816 : index
    %get3A_418 = vector.load %arg2[%get3A_415, %get3A_416, %get3A_417] : memref<1x256x4096xf32, #tpu.memory_space<vmem>>, vector<1x256x128xf32>
    %get3A_419 = vector.shape_cast %get3A_418 : vector<1x256x128xf32> to vector<256x128xf32>
    %reduce_min3A_420 = arith.constant dense<0x7F800000> : vector<256xf32>
    %reduce_min3A_421 = vector.multi_reduction <minimumf>, %get3A_419, %reduce_min3A_420 [1] : vector<256x128xf32> to vector<256xf32>
    %broadcast_in_dim3A_422 = vector.shape_cast %reduce_min3A_421 : vector<256xf32> to vector<256x1xf32>
    %eq3A_423 = vector.broadcast %broadcast_in_dim3A_422 : vector<256x1xf32> to vector<256x128xf32>
    %eq3A_424 = arith.cmpf oeq, %get3A_419, %eq3A_423 : vector<256x128xf32>
    %jit3A_425 = arith.constant 1.280000e+02 : f32
    %broadcast_in_dim3A_426 = vector.broadcast %jit3A_425 : f32 to vector<256x128xf32>
    %select_n3A_427 = arith.select %eq3A_424, %convert_element_type3A, %broadcast_in_dim3A_426 : vector<256x128xi1>, vector<256x128xf32>
    %reduce_min3A_428 = arith.constant dense<0x7F800000> : vector<256xf32>
    %reduce_min3A_429 = vector.multi_reduction <minimumf>, %select_n3A_427, %reduce_min3A_428 [1] : vector<256x128xf32> to vector<256xf32>
    %broadcast_in_dim3A_430 = vector.shape_cast %reduce_min3A_429 : vector<256xf32> to vector<256x1xf32>
    %add3A_431 = arith.constant 2.816000e+03 : f32
    %add3A_432 = vector.broadcast %add3A_431 : f32 to vector<256x1xf32>
    %add3A_433 = arith.addf %broadcast_in_dim3A_430, %add3A_432 : vector<256x1xf32>
    %get3A_434 = arith.constant 0 : index
    %get3A_435 = arith.constant 0 : index
    %get3A_436 = arith.constant 2944 : index
    %get3A_437 = vector.load %arg2[%get3A_434, %get3A_435, %get3A_436] : memref<1x256x4096xf32, #tpu.memory_space<vmem>>, vector<1x256x128xf32>
    %get3A_438 = vector.shape_cast %get3A_437 : vector<1x256x128xf32> to vector<256x128xf32>
    %reduce_min3A_439 = arith.constant dense<0x7F800000> : vector<256xf32>
    %reduce_min3A_440 = vector.multi_reduction <minimumf>, %get3A_438, %reduce_min3A_439 [1] : vector<256x128xf32> to vector<256xf32>
    %broadcast_in_dim3A_441 = vector.shape_cast %reduce_min3A_440 : vector<256xf32> to vector<256x1xf32>
    %eq3A_442 = vector.broadcast %broadcast_in_dim3A_441 : vector<256x1xf32> to vector<256x128xf32>
    %eq3A_443 = arith.cmpf oeq, %get3A_438, %eq3A_442 : vector<256x128xf32>
    %jit3A_444 = arith.constant 1.280000e+02 : f32
    %broadcast_in_dim3A_445 = vector.broadcast %jit3A_444 : f32 to vector<256x128xf32>
    %select_n3A_446 = arith.select %eq3A_443, %convert_element_type3A, %broadcast_in_dim3A_445 : vector<256x128xi1>, vector<256x128xf32>
    %reduce_min3A_447 = arith.constant dense<0x7F800000> : vector<256xf32>
    %reduce_min3A_448 = vector.multi_reduction <minimumf>, %select_n3A_446, %reduce_min3A_447 [1] : vector<256x128xf32> to vector<256xf32>
    %broadcast_in_dim3A_449 = vector.shape_cast %reduce_min3A_448 : vector<256xf32> to vector<256x1xf32>
    %add3A_450 = arith.constant 2.944000e+03 : f32
    %add3A_451 = vector.broadcast %add3A_450 : f32 to vector<256x1xf32>
    %add3A_452 = arith.addf %broadcast_in_dim3A_449, %add3A_451 : vector<256x1xf32>
    %get3A_453 = arith.constant 0 : index
    %get3A_454 = arith.constant 0 : index
    %get3A_455 = arith.constant 3072 : index
    %get3A_456 = vector.load %arg2[%get3A_453, %get3A_454, %get3A_455] : memref<1x256x4096xf32, #tpu.memory_space<vmem>>, vector<1x256x128xf32>
    %get3A_457 = vector.shape_cast %get3A_456 : vector<1x256x128xf32> to vector<256x128xf32>
    %reduce_min3A_458 = arith.constant dense<0x7F800000> : vector<256xf32>
    %reduce_min3A_459 = vector.multi_reduction <minimumf>, %get3A_457, %reduce_min3A_458 [1] : vector<256x128xf32> to vector<256xf32>
    %broadcast_in_dim3A_460 = vector.shape_cast %reduce_min3A_459 : vector<256xf32> to vector<256x1xf32>
    %eq3A_461 = vector.broadcast %broadcast_in_dim3A_460 : vector<256x1xf32> to vector<256x128xf32>
    %eq3A_462 = arith.cmpf oeq, %get3A_457, %eq3A_461 : vector<256x128xf32>
    %jit3A_463 = arith.constant 1.280000e+02 : f32
    %broadcast_in_dim3A_464 = vector.broadcast %jit3A_463 : f32 to vector<256x128xf32>
    %select_n3A_465 = arith.select %eq3A_462, %convert_element_type3A, %broadcast_in_dim3A_464 : vector<256x128xi1>, vector<256x128xf32>
    %reduce_min3A_466 = arith.constant dense<0x7F800000> : vector<256xf32>
    %reduce_min3A_467 = vector.multi_reduction <minimumf>, %select_n3A_465, %reduce_min3A_466 [1] : vector<256x128xf32> to vector<256xf32>
    %broadcast_in_dim3A_468 = vector.shape_cast %reduce_min3A_467 : vector<256xf32> to vector<256x1xf32>
    %add3A_469 = arith.constant 3.072000e+03 : f32
    %add3A_470 = vector.broadcast %add3A_469 : f32 to vector<256x1xf32>
    %add3A_471 = arith.addf %broadcast_in_dim3A_468, %add3A_470 : vector<256x1xf32>
    %get3A_472 = arith.constant 0 : index
    %get3A_473 = arith.constant 0 : index
    %get3A_474 = arith.constant 3200 : index
    %get3A_475 = vector.load %arg2[%get3A_472, %get3A_473, %get3A_474] : memref<1x256x4096xf32, #tpu.memory_space<vmem>>, vector<1x256x128xf32>
    %get3A_476 = vector.shape_cast %get3A_475 : vector<1x256x128xf32> to vector<256x128xf32>
    %reduce_min3A_477 = arith.constant dense<0x7F800000> : vector<256xf32>
    %reduce_min3A_478 = vector.multi_reduction <minimumf>, %get3A_476, %reduce_min3A_477 [1] : vector<256x128xf32> to vector<256xf32>
    %broadcast_in_dim3A_479 = vector.shape_cast %reduce_min3A_478 : vector<256xf32> to vector<256x1xf32>
    %eq3A_480 = vector.broadcast %broadcast_in_dim3A_479 : vector<256x1xf32> to vector<256x128xf32>
    %eq3A_481 = arith.cmpf oeq, %get3A_476, %eq3A_480 : vector<256x128xf32>
    %jit3A_482 = arith.constant 1.280000e+02 : f32
    %broadcast_in_dim3A_483 = vector.broadcast %jit3A_482 : f32 to vector<256x128xf32>
    %select_n3A_484 = arith.select %eq3A_481, %convert_element_type3A, %broadcast_in_dim3A_483 : vector<256x128xi1>, vector<256x128xf32>
    %reduce_min3A_485 = arith.constant dense<0x7F800000> : vector<256xf32>
    %reduce_min3A_486 = vector.multi_reduction <minimumf>, %select_n3A_484, %reduce_min3A_485 [1] : vector<256x128xf32> to vector<256xf32>
    %broadcast_in_dim3A_487 = vector.shape_cast %reduce_min3A_486 : vector<256xf32> to vector<256x1xf32>
    %add3A_488 = arith.constant 3.200000e+03 : f32
    %add3A_489 = vector.broadcast %add3A_488 : f32 to vector<256x1xf32>
    %add3A_490 = arith.addf %broadcast_in_dim3A_487, %add3A_489 : vector<256x1xf32>
    %get3A_491 = arith.constant 0 : index
    %get3A_492 = arith.constant 0 : index
    %get3A_493 = arith.constant 3328 : index
    %get3A_494 = vector.load %arg2[%get3A_491, %get3A_492, %get3A_493] : memref<1x256x4096xf32, #tpu.memory_space<vmem>>, vector<1x256x128xf32>
    %get3A_495 = vector.shape_cast %get3A_494 : vector<1x256x128xf32> to vector<256x128xf32>
    %reduce_min3A_496 = arith.constant dense<0x7F800000> : vector<256xf32>
    %reduce_min3A_497 = vector.multi_reduction <minimumf>, %get3A_495, %reduce_min3A_496 [1] : vector<256x128xf32> to vector<256xf32>
    %broadcast_in_dim3A_498 = vector.shape_cast %reduce_min3A_497 : vector<256xf32> to vector<256x1xf32>
    %eq3A_499 = vector.broadcast %broadcast_in_dim3A_498 : vector<256x1xf32> to vector<256x128xf32>
    %eq3A_500 = arith.cmpf oeq, %get3A_495, %eq3A_499 : vector<256x128xf32>
    %jit3A_501 = arith.constant 1.280000e+02 : f32
    %broadcast_in_dim3A_502 = vector.broadcast %jit3A_501 : f32 to vector<256x128xf32>
    %select_n3A_503 = arith.select %eq3A_500, %convert_element_type3A, %broadcast_in_dim3A_502 : vector<256x128xi1>, vector<256x128xf32>
    %reduce_min3A_504 = arith.constant dense<0x7F800000> : vector<256xf32>
    %reduce_min3A_505 = vector.multi_reduction <minimumf>, %select_n3A_503, %reduce_min3A_504 [1] : vector<256x128xf32> to vector<256xf32>
    %broadcast_in_dim3A_506 = vector.shape_cast %reduce_min3A_505 : vector<256xf32> to vector<256x1xf32>
    %add3A_507 = arith.constant 3.328000e+03 : f32
    %add3A_508 = vector.broadcast %add3A_507 : f32 to vector<256x1xf32>
    %add3A_509 = arith.addf %broadcast_in_dim3A_506, %add3A_508 : vector<256x1xf32>
    %get3A_510 = arith.constant 0 : index
    %get3A_511 = arith.constant 0 : index
    %get3A_512 = arith.constant 3456 : index
    %get3A_513 = vector.load %arg2[%get3A_510, %get3A_511, %get3A_512] : memref<1x256x4096xf32, #tpu.memory_space<vmem>>, vector<1x256x128xf32>
    %get3A_514 = vector.shape_cast %get3A_513 : vector<1x256x128xf32> to vector<256x128xf32>
    %reduce_min3A_515 = arith.constant dense<0x7F800000> : vector<256xf32>
    %reduce_min3A_516 = vector.multi_reduction <minimumf>, %get3A_514, %reduce_min3A_515 [1] : vector<256x128xf32> to vector<256xf32>
    %broadcast_in_dim3A_517 = vector.shape_cast %reduce_min3A_516 : vector<256xf32> to vector<256x1xf32>
    %eq3A_518 = vector.broadcast %broadcast_in_dim3A_517 : vector<256x1xf32> to vector<256x128xf32>
    %eq3A_519 = arith.cmpf oeq, %get3A_514, %eq3A_518 : vector<256x128xf32>
    %jit3A_520 = arith.constant 1.280000e+02 : f32
    %broadcast_in_dim3A_521 = vector.broadcast %jit3A_520 : f32 to vector<256x128xf32>
    %select_n3A_522 = arith.select %eq3A_519, %convert_element_type3A, %broadcast_in_dim3A_521 : vector<256x128xi1>, vector<256x128xf32>
    %reduce_min3A_523 = arith.constant dense<0x7F800000> : vector<256xf32>
    %reduce_min3A_524 = vector.multi_reduction <minimumf>, %select_n3A_522, %reduce_min3A_523 [1] : vector<256x128xf32> to vector<256xf32>
    %broadcast_in_dim3A_525 = vector.shape_cast %reduce_min3A_524 : vector<256xf32> to vector<256x1xf32>
    %add3A_526 = arith.constant 3.456000e+03 : f32
    %add3A_527 = vector.broadcast %add3A_526 : f32 to vector<256x1xf32>
    %add3A_528 = arith.addf %broadcast_in_dim3A_525, %add3A_527 : vector<256x1xf32>
    %get3A_529 = arith.constant 0 : index
    %get3A_530 = arith.constant 0 : index
    %get3A_531 = arith.constant 3584 : index
    %get3A_532 = vector.load %arg2[%get3A_529, %get3A_530, %get3A_531] : memref<1x256x4096xf32, #tpu.memory_space<vmem>>, vector<1x256x128xf32>
    %get3A_533 = vector.shape_cast %get3A_532 : vector<1x256x128xf32> to vector<256x128xf32>
    %reduce_min3A_534 = arith.constant dense<0x7F800000> : vector<256xf32>
    %reduce_min3A_535 = vector.multi_reduction <minimumf>, %get3A_533, %reduce_min3A_534 [1] : vector<256x128xf32> to vector<256xf32>
    %broadcast_in_dim3A_536 = vector.shape_cast %reduce_min3A_535 : vector<256xf32> to vector<256x1xf32>
    %eq3A_537 = vector.broadcast %broadcast_in_dim3A_536 : vector<256x1xf32> to vector<256x128xf32>
    %eq3A_538 = arith.cmpf oeq, %get3A_533, %eq3A_537 : vector<256x128xf32>
    %jit3A_539 = arith.constant 1.280000e+02 : f32
    %broadcast_in_dim3A_540 = vector.broadcast %jit3A_539 : f32 to vector<256x128xf32>
    %select_n3A_541 = arith.select %eq3A_538, %convert_element_type3A, %broadcast_in_dim3A_540 : vector<256x128xi1>, vector<256x128xf32>
    %reduce_min3A_542 = arith.constant dense<0x7F800000> : vector<256xf32>
    %reduce_min3A_543 = vector.multi_reduction <minimumf>, %select_n3A_541, %reduce_min3A_542 [1] : vector<256x128xf32> to vector<256xf32>
    %broadcast_in_dim3A_544 = vector.shape_cast %reduce_min3A_543 : vector<256xf32> to vector<256x1xf32>
    %add3A_545 = arith.constant 3.584000e+03 : f32
    %add3A_546 = vector.broadcast %add3A_545 : f32 to vector<256x1xf32>
    %add3A_547 = arith.addf %broadcast_in_dim3A_544, %add3A_546 : vector<256x1xf32>
    %get3A_548 = arith.constant 0 : index
    %get3A_549 = arith.constant 0 : index
    %get3A_550 = arith.constant 3712 : index
    %get3A_551 = vector.load %arg2[%get3A_548, %get3A_549, %get3A_550] : memref<1x256x4096xf32, #tpu.memory_space<vmem>>, vector<1x256x128xf32>
    %get3A_552 = vector.shape_cast %get3A_551 : vector<1x256x128xf32> to vector<256x128xf32>
    %reduce_min3A_553 = arith.constant dense<0x7F800000> : vector<256xf32>
    %reduce_min3A_554 = vector.multi_reduction <minimumf>, %get3A_552, %reduce_min3A_553 [1] : vector<256x128xf32> to vector<256xf32>
    %broadcast_in_dim3A_555 = vector.shape_cast %reduce_min3A_554 : vector<256xf32> to vector<256x1xf32>
    %eq3A_556 = vector.broadcast %broadcast_in_dim3A_555 : vector<256x1xf32> to vector<256x128xf32>
    %eq3A_557 = arith.cmpf oeq, %get3A_552, %eq3A_556 : vector<256x128xf32>
    %jit3A_558 = arith.constant 1.280000e+02 : f32
    %broadcast_in_dim3A_559 = vector.broadcast %jit3A_558 : f32 to vector<256x128xf32>
    %select_n3A_560 = arith.select %eq3A_557, %convert_element_type3A, %broadcast_in_dim3A_559 : vector<256x128xi1>, vector<256x128xf32>
    %reduce_min3A_561 = arith.constant dense<0x7F800000> : vector<256xf32>
    %reduce_min3A_562 = vector.multi_reduction <minimumf>, %select_n3A_560, %reduce_min3A_561 [1] : vector<256x128xf32> to vector<256xf32>
    %broadcast_in_dim3A_563 = vector.shape_cast %reduce_min3A_562 : vector<256xf32> to vector<256x1xf32>
    %add3A_564 = arith.constant 3.712000e+03 : f32
    %add3A_565 = vector.broadcast %add3A_564 : f32 to vector<256x1xf32>
    %add3A_566 = arith.addf %broadcast_in_dim3A_563, %add3A_565 : vector<256x1xf32>
    %get3A_567 = arith.constant 0 : index
    %get3A_568 = arith.constant 0 : index
    %get3A_569 = arith.constant 3840 : index
    %get3A_570 = vector.load %arg2[%get3A_567, %get3A_568, %get3A_569] : memref<1x256x4096xf32, #tpu.memory_space<vmem>>, vector<1x256x128xf32>
    %get3A_571 = vector.shape_cast %get3A_570 : vector<1x256x128xf32> to vector<256x128xf32>
    %reduce_min3A_572 = arith.constant dense<0x7F800000> : vector<256xf32>
    %reduce_min3A_573 = vector.multi_reduction <minimumf>, %get3A_571, %reduce_min3A_572 [1] : vector<256x128xf32> to vector<256xf32>
    %broadcast_in_dim3A_574 = vector.shape_cast %reduce_min3A_573 : vector<256xf32> to vector<256x1xf32>
    %eq3A_575 = vector.broadcast %broadcast_in_dim3A_574 : vector<256x1xf32> to vector<256x128xf32>
    %eq3A_576 = arith.cmpf oeq, %get3A_571, %eq3A_575 : vector<256x128xf32>
    %jit3A_577 = arith.constant 1.280000e+02 : f32
    %broadcast_in_dim3A_578 = vector.broadcast %jit3A_577 : f32 to vector<256x128xf32>
    %select_n3A_579 = arith.select %eq3A_576, %convert_element_type3A, %broadcast_in_dim3A_578 : vector<256x128xi1>, vector<256x128xf32>
    %reduce_min3A_580 = arith.constant dense<0x7F800000> : vector<256xf32>
    %reduce_min3A_581 = vector.multi_reduction <minimumf>, %select_n3A_579, %reduce_min3A_580 [1] : vector<256x128xf32> to vector<256xf32>
    %broadcast_in_dim3A_582 = vector.shape_cast %reduce_min3A_581 : vector<256xf32> to vector<256x1xf32>
    %add3A_583 = arith.constant 3.840000e+03 : f32
    %add3A_584 = vector.broadcast %add3A_583 : f32 to vector<256x1xf32>
    %add3A_585 = arith.addf %broadcast_in_dim3A_582, %add3A_584 : vector<256x1xf32>
    %get3A_586 = arith.constant 0 : index
    %get3A_587 = arith.constant 0 : index
    %get3A_588 = arith.constant 3968 : index
    %get3A_589 = vector.load %arg2[%get3A_586, %get3A_587, %get3A_588] : memref<1x256x4096xf32, #tpu.memory_space<vmem>>, vector<1x256x128xf32>
    %get3A_590 = vector.shape_cast %get3A_589 : vector<1x256x128xf32> to vector<256x128xf32>
    %reduce_min3A_591 = arith.constant dense<0x7F800000> : vector<256xf32>
    %reduce_min3A_592 = vector.multi_reduction <minimumf>, %get3A_590, %reduce_min3A_591 [1] : vector<256x128xf32> to vector<256xf32>
    %broadcast_in_dim3A_593 = vector.shape_cast %reduce_min3A_592 : vector<256xf32> to vector<256x1xf32>
    %eq3A_594 = vector.broadcast %broadcast_in_dim3A_593 : vector<256x1xf32> to vector<256x128xf32>
    %eq3A_595 = arith.cmpf oeq, %get3A_590, %eq3A_594 : vector<256x128xf32>
    %jit3A_596 = arith.constant 1.280000e+02 : f32
    %broadcast_in_dim3A_597 = vector.broadcast %jit3A_596 : f32 to vector<256x128xf32>
    %select_n3A_598 = arith.select %eq3A_595, %convert_element_type3A, %broadcast_in_dim3A_597 : vector<256x128xi1>, vector<256x128xf32>
    %reduce_min3A_599 = arith.constant dense<0x7F800000> : vector<256xf32>
    %reduce_min3A_600 = vector.multi_reduction <minimumf>, %select_n3A_598, %reduce_min3A_599 [1] : vector<256x128xf32> to vector<256xf32>
    %broadcast_in_dim3A_601 = vector.shape_cast %reduce_min3A_600 : vector<256xf32> to vector<256x1xf32>
    %add3A_602 = arith.constant 3.968000e+03 : f32
    %add3A_603 = vector.broadcast %add3A_602 : f32 to vector<256x1xf32>
    %add3A_604 = arith.addf %broadcast_in_dim3A_601, %add3A_603 : vector<256x1xf32>
    %concatenate3A = tpu.concatenate %broadcast_in_dim3A, %broadcast_in_dim3A_23, %broadcast_in_dim3A_42, %broadcast_in_dim3A_61, %broadcast_in_dim3A_80, %broadcast_in_dim3A_99, %broadcast_in_dim3A_118, %broadcast_in_dim3A_137, %broadcast_in_dim3A_156, %broadcast_in_dim3A_175, %broadcast_in_dim3A_194, %broadcast_in_dim3A_213, %broadcast_in_dim3A_232, %broadcast_in_dim3A_251, %broadcast_in_dim3A_270, %broadcast_in_dim3A_289, %broadcast_in_dim3A_308, %broadcast_in_dim3A_327, %broadcast_in_dim3A_346, %broadcast_in_dim3A_365, %broadcast_in_dim3A_384, %broadcast_in_dim3A_403, %broadcast_in_dim3A_422, %broadcast_in_dim3A_441, %broadcast_in_dim3A_460, %broadcast_in_dim3A_479, %broadcast_in_dim3A_498, %broadcast_in_dim3A_517, %broadcast_in_dim3A_536, %broadcast_in_dim3A_555, %broadcast_in_dim3A_574, %broadcast_in_dim3A_593 in 1 : vector<256x1xf32>, vector<256x1xf32>, vector<256x1xf32>, vector<256x1xf32>, vector<256x1xf32>, vector<256x1xf32>, vector<256x1xf32>, vector<256x1xf32>, vector<256x1xf32>, vector<256x1xf32>, vector<256x1xf32>, vector<256x1xf32>, vector<256x1xf32>, vector<256x1xf32>, vector<256x1xf32>, vector<256x1xf32>, vector<256x1xf32>, vector<256x1xf32>, vector<256x1xf32>, vector<256x1xf32>, vector<256x1xf32>, vector<256x1xf32>, vector<256x1xf32>, vector<256x1xf32>, vector<256x1xf32>, vector<256x1xf32>, vector<256x1xf32>, vector<256x1xf32>, vector<256x1xf32>, vector<256x1xf32>, vector<256x1xf32>, vector<256x1xf32> -> vector<256x32xf32>
    %concatenate3A_605 = tpu.concatenate %add3A_15, %add3A_34, %add3A_53, %add3A_72, %add3A_91, %add3A_110, %add3A_129, %add3A_148, %add3A_167, %add3A_186, %add3A_205, %add3A_224, %add3A_243, %add3A_262, %add3A_281, %add3A_300, %add3A_319, %add3A_338, %add3A_357, %add3A_376, %add3A_395, %add3A_414, %add3A_433, %add3A_452, %add3A_471, %add3A_490, %add3A_509, %add3A_528, %add3A_547, %add3A_566, %add3A_585, %add3A_604 in 1 : vector<256x1xf32>, vector<256x1xf32>, vector<256x1xf32>, vector<256x1xf32>, vector<256x1xf32>, vector<256x1xf32>, vector<256x1xf32>, vector<256x1xf32>, vector<256x1xf32>, vector<256x1xf32>, vector<256x1xf32>, vector<256x1xf32>, vector<256x1xf32>, vector<256x1xf32>, vector<256x1xf32>, vector<256x1xf32>, vector<256x1xf32>, vector<256x1xf32>, vector<256x1xf32>, vector<256x1xf32>, vector<256x1xf32>, vector<256x1xf32>, vector<256x1xf32>, vector<256x1xf32>, vector<256x1xf32>, vector<256x1xf32>, vector<256x1xf32>, vector<256x1xf32>, vector<256x1xf32>, vector<256x1xf32>, vector<256x1xf32>, vector<256x1xf32> -> vector<256x32xf32>
    %broadcast_in_dim3A_606 = arith.constant 0.000000e+00 : f32
    %broadcast_in_dim3A_607 = vector.broadcast %broadcast_in_dim3A_606 : f32 to vector<256x16xf32>
    %scan3A = arith.constant 0x7F800000 : f32
    %scan3A_608 = arith.constant 0 : i32
    %scan3A_609 = arith.constant 16 : i32
    %scan3A_610 = arith.addi %scan3A_608, %scan3A_609 : i32
    %scan3A_611 = arith.constant 1 : i32
    %scan3A_612:3 = scf.for %scan3A_623 = %scan3A_608 to %scan3A_610 step %scan3A_611 iter_args(%scan3A_624 = %concatenate3A, %scan3A_625 = %concatenate3A_605, %scan3A_626 = %broadcast_in_dim3A_607) -> (vector<256x32xf32>, vector<256x32xf32>, vector<256x16xf32>)  : i32 {
      %reduce_min3A_627 = arith.constant dense<0x7F800000> : vector<256xf32>
      %reduce_min3A_628 = vector.multi_reduction <minimumf>, %scan3A_624, %reduce_min3A_627 [1] : vector<256x32xf32> to vector<256xf32>
      %broadcast_in_dim3A_629 = vector.shape_cast %reduce_min3A_628 : vector<256xf32> to vector<256x1xf32>
      %eq3A_630 = vector.broadcast %broadcast_in_dim3A_629 : vector<256x1xf32> to vector<256x32xf32>
      %eq3A_631 = arith.cmpf oeq, %scan3A_624, %eq3A_630 : vector<256x32xf32>
      %jit3A_632 = arith.constant 4.096000e+03 : f32
      %broadcast_in_dim3A_633 = vector.broadcast %jit3A_632 : f32 to vector<256x32xf32>
      %select_n3A_634 = arith.select %eq3A_631, %scan3A_625, %broadcast_in_dim3A_633 : vector<256x32xi1>, vector<256x32xf32>
      %reduce_min3A_635 = arith.constant dense<0x7F800000> : vector<256xf32>
      %reduce_min3A_636 = vector.multi_reduction <minimumf>, %select_n3A_634, %reduce_min3A_635 [1] : vector<256x32xf32> to vector<256xf32>
      %broadcast_in_dim3A_637 = vector.shape_cast %reduce_min3A_636 : vector<256xf32> to vector<256x1xf32>
      %convert_element_type3A_638 = arith.sitofp %scan3A_623 : i32 to f32
      %eq3A_639 = vector.broadcast %convert_element_type3A_638 : f32 to vector<256x16xf32>
      %eq3A_640 = arith.cmpf oeq, %convert_element_type3A_3, %eq3A_639 : vector<256x16xf32>
      %broadcast_in_dim3A_641 = vector.shape_cast %broadcast_in_dim3A_637 : vector<256x1xf32> to vector<256x1xf32>
      %broadcast_in_dim3A_642 = vector.broadcast %broadcast_in_dim3A_641 : vector<256x1xf32> to vector<256x16xf32>
      %select_n3A_643 = arith.select %eq3A_640, %broadcast_in_dim3A_642, %scan3A_626 : vector<256x16xi1>, vector<256x16xf32>
      %mul3A_644 = arith.constant 7.812500e-03 : f32
      %mul3A_645 = vector.broadcast %mul3A_644 : f32 to vector<256x1xf32>
      %mul3A_646 = arith.mulf %broadcast_in_dim3A_637, %mul3A_645 : vector<256x1xf32>
      %floor3A = math.floor %mul3A_646 : vector<256x1xf32>
      %get3A_647 = arith.constant 0 : index
      %get3A_648 = arith.constant 0 : index
      %get3A_649 = arith.constant 0 : index
      %get3A_650 = vector.load %arg2[%get3A_647, %get3A_648, %get3A_649] : memref<1x256x4096xf32, #tpu.memory_space<vmem>>, vector<1x256x128xf32>
      %get3A_651 = vector.shape_cast %get3A_650 : vector<1x256x128xf32> to vector<256x128xf32>
      %eq3A_652 = arith.constant 1.000000e+00 : f32
      %eq3A_653 = vector.broadcast %eq3A_652 : f32 to vector<256x1xf32>
      %eq3A_654 = arith.cmpf oeq, %floor3A, %eq3A_653 : vector<256x1xf32>
      %get3A_655 = arith.constant 0 : index
      %get3A_656 = arith.constant 0 : index
      %get3A_657 = arith.constant 128 : index
      %get3A_658 = vector.load %arg2[%get3A_655, %get3A_656, %get3A_657] : memref<1x256x4096xf32, #tpu.memory_space<vmem>>, vector<1x256x128xf32>
      %get3A_659 = vector.shape_cast %get3A_658 : vector<1x256x128xf32> to vector<256x128xf32>
      %broadcast_in_dim3A_660 = vector.shape_cast %eq3A_654 : vector<256x1xi1> to vector<256x1xi1>
      %broadcast_in_dim3A_661 = vector.broadcast %broadcast_in_dim3A_660 : vector<256x1xi1> to vector<256x128xi1>
      %select_n3A_662 = arith.select %broadcast_in_dim3A_661, %get3A_659, %get3A_651 : vector<256x128xi1>, vector<256x128xf32>
      %eq3A_663 = arith.constant 2.000000e+00 : f32
      %eq3A_664 = vector.broadcast %eq3A_663 : f32 to vector<256x1xf32>
      %eq3A_665 = arith.cmpf oeq, %floor3A, %eq3A_664 : vector<256x1xf32>
      %get3A_666 = arith.constant 0 : index
      %get3A_667 = arith.constant 0 : index
      %get3A_668 = arith.constant 256 : index
      %get3A_669 = vector.load %arg2[%get3A_666, %get3A_667, %get3A_668] : memref<1x256x4096xf32, #tpu.memory_space<vmem>>, vector<1x256x128xf32>
      %get3A_670 = vector.shape_cast %get3A_669 : vector<1x256x128xf32> to vector<256x128xf32>
      %broadcast_in_dim3A_671 = vector.shape_cast %eq3A_665 : vector<256x1xi1> to vector<256x1xi1>
      %broadcast_in_dim3A_672 = vector.broadcast %broadcast_in_dim3A_671 : vector<256x1xi1> to vector<256x128xi1>
      %select_n3A_673 = arith.select %broadcast_in_dim3A_672, %get3A_670, %select_n3A_662 : vector<256x128xi1>, vector<256x128xf32>
      %eq3A_674 = arith.constant 3.000000e+00 : f32
      %eq3A_675 = vector.broadcast %eq3A_674 : f32 to vector<256x1xf32>
      %eq3A_676 = arith.cmpf oeq, %floor3A, %eq3A_675 : vector<256x1xf32>
      %get3A_677 = arith.constant 0 : index
      %get3A_678 = arith.constant 0 : index
      %get3A_679 = arith.constant 384 : index
      %get3A_680 = vector.load %arg2[%get3A_677, %get3A_678, %get3A_679] : memref<1x256x4096xf32, #tpu.memory_space<vmem>>, vector<1x256x128xf32>
      %get3A_681 = vector.shape_cast %get3A_680 : vector<1x256x128xf32> to vector<256x128xf32>
      %broadcast_in_dim3A_682 = vector.shape_cast %eq3A_676 : vector<256x1xi1> to vector<256x1xi1>
      %broadcast_in_dim3A_683 = vector.broadcast %broadcast_in_dim3A_682 : vector<256x1xi1> to vector<256x128xi1>
      %select_n3A_684 = arith.select %broadcast_in_dim3A_683, %get3A_681, %select_n3A_673 : vector<256x128xi1>, vector<256x128xf32>
      %eq3A_685 = arith.constant 4.000000e+00 : f32
      %eq3A_686 = vector.broadcast %eq3A_685 : f32 to vector<256x1xf32>
      %eq3A_687 = arith.cmpf oeq, %floor3A, %eq3A_686 : vector<256x1xf32>
      %get3A_688 = arith.constant 0 : index
      %get3A_689 = arith.constant 0 : index
      %get3A_690 = arith.constant 512 : index
      %get3A_691 = vector.load %arg2[%get3A_688, %get3A_689, %get3A_690] : memref<1x256x4096xf32, #tpu.memory_space<vmem>>, vector<1x256x128xf32>
      %get3A_692 = vector.shape_cast %get3A_691 : vector<1x256x128xf32> to vector<256x128xf32>
      %broadcast_in_dim3A_693 = vector.shape_cast %eq3A_687 : vector<256x1xi1> to vector<256x1xi1>
      %broadcast_in_dim3A_694 = vector.broadcast %broadcast_in_dim3A_693 : vector<256x1xi1> to vector<256x128xi1>
      %select_n3A_695 = arith.select %broadcast_in_dim3A_694, %get3A_692, %select_n3A_684 : vector<256x128xi1>, vector<256x128xf32>
      %eq3A_696 = arith.constant 5.000000e+00 : f32
      %eq3A_697 = vector.broadcast %eq3A_696 : f32 to vector<256x1xf32>
      %eq3A_698 = arith.cmpf oeq, %floor3A, %eq3A_697 : vector<256x1xf32>
      %get3A_699 = arith.constant 0 : index
      %get3A_700 = arith.constant 0 : index
      %get3A_701 = arith.constant 640 : index
      %get3A_702 = vector.load %arg2[%get3A_699, %get3A_700, %get3A_701] : memref<1x256x4096xf32, #tpu.memory_space<vmem>>, vector<1x256x128xf32>
      %get3A_703 = vector.shape_cast %get3A_702 : vector<1x256x128xf32> to vector<256x128xf32>
      %broadcast_in_dim3A_704 = vector.shape_cast %eq3A_698 : vector<256x1xi1> to vector<256x1xi1>
      %broadcast_in_dim3A_705 = vector.broadcast %broadcast_in_dim3A_704 : vector<256x1xi1> to vector<256x128xi1>
      %select_n3A_706 = arith.select %broadcast_in_dim3A_705, %get3A_703, %select_n3A_695 : vector<256x128xi1>, vector<256x128xf32>
      %eq3A_707 = arith.constant 6.000000e+00 : f32
      %eq3A_708 = vector.broadcast %eq3A_707 : f32 to vector<256x1xf32>
      %eq3A_709 = arith.cmpf oeq, %floor3A, %eq3A_708 : vector<256x1xf32>
      %get3A_710 = arith.constant 0 : index
      %get3A_711 = arith.constant 0 : index
      %get3A_712 = arith.constant 768 : index
      %get3A_713 = vector.load %arg2[%get3A_710, %get3A_711, %get3A_712] : memref<1x256x4096xf32, #tpu.memory_space<vmem>>, vector<1x256x128xf32>
      %get3A_714 = vector.shape_cast %get3A_713 : vector<1x256x128xf32> to vector<256x128xf32>
      %broadcast_in_dim3A_715 = vector.shape_cast %eq3A_709 : vector<256x1xi1> to vector<256x1xi1>
      %broadcast_in_dim3A_716 = vector.broadcast %broadcast_in_dim3A_715 : vector<256x1xi1> to vector<256x128xi1>
      %select_n3A_717 = arith.select %broadcast_in_dim3A_716, %get3A_714, %select_n3A_706 : vector<256x128xi1>, vector<256x128xf32>
      %eq3A_718 = arith.constant 7.000000e+00 : f32
      %eq3A_719 = vector.broadcast %eq3A_718 : f32 to vector<256x1xf32>
      %eq3A_720 = arith.cmpf oeq, %floor3A, %eq3A_719 : vector<256x1xf32>
      %get3A_721 = arith.constant 0 : index
      %get3A_722 = arith.constant 0 : index
      %get3A_723 = arith.constant 896 : index
      %get3A_724 = vector.load %arg2[%get3A_721, %get3A_722, %get3A_723] : memref<1x256x4096xf32, #tpu.memory_space<vmem>>, vector<1x256x128xf32>
      %get3A_725 = vector.shape_cast %get3A_724 : vector<1x256x128xf32> to vector<256x128xf32>
      %broadcast_in_dim3A_726 = vector.shape_cast %eq3A_720 : vector<256x1xi1> to vector<256x1xi1>
      %broadcast_in_dim3A_727 = vector.broadcast %broadcast_in_dim3A_726 : vector<256x1xi1> to vector<256x128xi1>
      %select_n3A_728 = arith.select %broadcast_in_dim3A_727, %get3A_725, %select_n3A_717 : vector<256x128xi1>, vector<256x128xf32>
      %eq3A_729 = arith.constant 8.000000e+00 : f32
      %eq3A_730 = vector.broadcast %eq3A_729 : f32 to vector<256x1xf32>
      %eq3A_731 = arith.cmpf oeq, %floor3A, %eq3A_730 : vector<256x1xf32>
      %get3A_732 = arith.constant 0 : index
      %get3A_733 = arith.constant 0 : index
      %get3A_734 = arith.constant 1024 : index
      %get3A_735 = vector.load %arg2[%get3A_732, %get3A_733, %get3A_734] : memref<1x256x4096xf32, #tpu.memory_space<vmem>>, vector<1x256x128xf32>
      %get3A_736 = vector.shape_cast %get3A_735 : vector<1x256x128xf32> to vector<256x128xf32>
      %broadcast_in_dim3A_737 = vector.shape_cast %eq3A_731 : vector<256x1xi1> to vector<256x1xi1>
      %broadcast_in_dim3A_738 = vector.broadcast %broadcast_in_dim3A_737 : vector<256x1xi1> to vector<256x128xi1>
      %select_n3A_739 = arith.select %broadcast_in_dim3A_738, %get3A_736, %select_n3A_728 : vector<256x128xi1>, vector<256x128xf32>
      %eq3A_740 = arith.constant 9.000000e+00 : f32
      %eq3A_741 = vector.broadcast %eq3A_740 : f32 to vector<256x1xf32>
      %eq3A_742 = arith.cmpf oeq, %floor3A, %eq3A_741 : vector<256x1xf32>
      %get3A_743 = arith.constant 0 : index
      %get3A_744 = arith.constant 0 : index
      %get3A_745 = arith.constant 1152 : index
      %get3A_746 = vector.load %arg2[%get3A_743, %get3A_744, %get3A_745] : memref<1x256x4096xf32, #tpu.memory_space<vmem>>, vector<1x256x128xf32>
      %get3A_747 = vector.shape_cast %get3A_746 : vector<1x256x128xf32> to vector<256x128xf32>
      %broadcast_in_dim3A_748 = vector.shape_cast %eq3A_742 : vector<256x1xi1> to vector<256x1xi1>
      %broadcast_in_dim3A_749 = vector.broadcast %broadcast_in_dim3A_748 : vector<256x1xi1> to vector<256x128xi1>
      %select_n3A_750 = arith.select %broadcast_in_dim3A_749, %get3A_747, %select_n3A_739 : vector<256x128xi1>, vector<256x128xf32>
      %eq3A_751 = arith.constant 1.000000e+01 : f32
      %eq3A_752 = vector.broadcast %eq3A_751 : f32 to vector<256x1xf32>
      %eq3A_753 = arith.cmpf oeq, %floor3A, %eq3A_752 : vector<256x1xf32>
      %get3A_754 = arith.constant 0 : index
      %get3A_755 = arith.constant 0 : index
      %get3A_756 = arith.constant 1280 : index
      %get3A_757 = vector.load %arg2[%get3A_754, %get3A_755, %get3A_756] : memref<1x256x4096xf32, #tpu.memory_space<vmem>>, vector<1x256x128xf32>
      %get3A_758 = vector.shape_cast %get3A_757 : vector<1x256x128xf32> to vector<256x128xf32>
      %broadcast_in_dim3A_759 = vector.shape_cast %eq3A_753 : vector<256x1xi1> to vector<256x1xi1>
      %broadcast_in_dim3A_760 = vector.broadcast %broadcast_in_dim3A_759 : vector<256x1xi1> to vector<256x128xi1>
      %select_n3A_761 = arith.select %broadcast_in_dim3A_760, %get3A_758, %select_n3A_750 : vector<256x128xi1>, vector<256x128xf32>
      %eq3A_762 = arith.constant 1.100000e+01 : f32
      %eq3A_763 = vector.broadcast %eq3A_762 : f32 to vector<256x1xf32>
      %eq3A_764 = arith.cmpf oeq, %floor3A, %eq3A_763 : vector<256x1xf32>
      %get3A_765 = arith.constant 0 : index
      %get3A_766 = arith.constant 0 : index
      %get3A_767 = arith.constant 1408 : index
      %get3A_768 = vector.load %arg2[%get3A_765, %get3A_766, %get3A_767] : memref<1x256x4096xf32, #tpu.memory_space<vmem>>, vector<1x256x128xf32>
      %get3A_769 = vector.shape_cast %get3A_768 : vector<1x256x128xf32> to vector<256x128xf32>
      %broadcast_in_dim3A_770 = vector.shape_cast %eq3A_764 : vector<256x1xi1> to vector<256x1xi1>
      %broadcast_in_dim3A_771 = vector.broadcast %broadcast_in_dim3A_770 : vector<256x1xi1> to vector<256x128xi1>
      %select_n3A_772 = arith.select %broadcast_in_dim3A_771, %get3A_769, %select_n3A_761 : vector<256x128xi1>, vector<256x128xf32>
      %eq3A_773 = arith.constant 1.200000e+01 : f32
      %eq3A_774 = vector.broadcast %eq3A_773 : f32 to vector<256x1xf32>
      %eq3A_775 = arith.cmpf oeq, %floor3A, %eq3A_774 : vector<256x1xf32>
      %get3A_776 = arith.constant 0 : index
      %get3A_777 = arith.constant 0 : index
      %get3A_778 = arith.constant 1536 : index
      %get3A_779 = vector.load %arg2[%get3A_776, %get3A_777, %get3A_778] : memref<1x256x4096xf32, #tpu.memory_space<vmem>>, vector<1x256x128xf32>
      %get3A_780 = vector.shape_cast %get3A_779 : vector<1x256x128xf32> to vector<256x128xf32>
      %broadcast_in_dim3A_781 = vector.shape_cast %eq3A_775 : vector<256x1xi1> to vector<256x1xi1>
      %broadcast_in_dim3A_782 = vector.broadcast %broadcast_in_dim3A_781 : vector<256x1xi1> to vector<256x128xi1>
      %select_n3A_783 = arith.select %broadcast_in_dim3A_782, %get3A_780, %select_n3A_772 : vector<256x128xi1>, vector<256x128xf32>
      %eq3A_784 = arith.constant 1.300000e+01 : f32
      %eq3A_785 = vector.broadcast %eq3A_784 : f32 to vector<256x1xf32>
      %eq3A_786 = arith.cmpf oeq, %floor3A, %eq3A_785 : vector<256x1xf32>
      %get3A_787 = arith.constant 0 : index
      %get3A_788 = arith.constant 0 : index
      %get3A_789 = arith.constant 1664 : index
      %get3A_790 = vector.load %arg2[%get3A_787, %get3A_788, %get3A_789] : memref<1x256x4096xf32, #tpu.memory_space<vmem>>, vector<1x256x128xf32>
      %get3A_791 = vector.shape_cast %get3A_790 : vector<1x256x128xf32> to vector<256x128xf32>
      %broadcast_in_dim3A_792 = vector.shape_cast %eq3A_786 : vector<256x1xi1> to vector<256x1xi1>
      %broadcast_in_dim3A_793 = vector.broadcast %broadcast_in_dim3A_792 : vector<256x1xi1> to vector<256x128xi1>
      %select_n3A_794 = arith.select %broadcast_in_dim3A_793, %get3A_791, %select_n3A_783 : vector<256x128xi1>, vector<256x128xf32>
      %eq3A_795 = arith.constant 1.400000e+01 : f32
      %eq3A_796 = vector.broadcast %eq3A_795 : f32 to vector<256x1xf32>
      %eq3A_797 = arith.cmpf oeq, %floor3A, %eq3A_796 : vector<256x1xf32>
      %get3A_798 = arith.constant 0 : index
      %get3A_799 = arith.constant 0 : index
      %get3A_800 = arith.constant 1792 : index
      %get3A_801 = vector.load %arg2[%get3A_798, %get3A_799, %get3A_800] : memref<1x256x4096xf32, #tpu.memory_space<vmem>>, vector<1x256x128xf32>
      %get3A_802 = vector.shape_cast %get3A_801 : vector<1x256x128xf32> to vector<256x128xf32>
      %broadcast_in_dim3A_803 = vector.shape_cast %eq3A_797 : vector<256x1xi1> to vector<256x1xi1>
      %broadcast_in_dim3A_804 = vector.broadcast %broadcast_in_dim3A_803 : vector<256x1xi1> to vector<256x128xi1>
      %select_n3A_805 = arith.select %broadcast_in_dim3A_804, %get3A_802, %select_n3A_794 : vector<256x128xi1>, vector<256x128xf32>
      %eq3A_806 = arith.constant 1.500000e+01 : f32
      %eq3A_807 = vector.broadcast %eq3A_806 : f32 to vector<256x1xf32>
      %eq3A_808 = arith.cmpf oeq, %floor3A, %eq3A_807 : vector<256x1xf32>
      %get3A_809 = arith.constant 0 : index
      %get3A_810 = arith.constant 0 : index
      %get3A_811 = arith.constant 1920 : index
      %get3A_812 = vector.load %arg2[%get3A_809, %get3A_810, %get3A_811] : memref<1x256x4096xf32, #tpu.memory_space<vmem>>, vector<1x256x128xf32>
      %get3A_813 = vector.shape_cast %get3A_812 : vector<1x256x128xf32> to vector<256x128xf32>
      %broadcast_in_dim3A_814 = vector.shape_cast %eq3A_808 : vector<256x1xi1> to vector<256x1xi1>
      %broadcast_in_dim3A_815 = vector.broadcast %broadcast_in_dim3A_814 : vector<256x1xi1> to vector<256x128xi1>
      %select_n3A_816 = arith.select %broadcast_in_dim3A_815, %get3A_813, %select_n3A_805 : vector<256x128xi1>, vector<256x128xf32>
      %eq3A_817 = arith.constant 1.600000e+01 : f32
      %eq3A_818 = vector.broadcast %eq3A_817 : f32 to vector<256x1xf32>
      %eq3A_819 = arith.cmpf oeq, %floor3A, %eq3A_818 : vector<256x1xf32>
      %get3A_820 = arith.constant 0 : index
      %get3A_821 = arith.constant 0 : index
      %get3A_822 = arith.constant 2048 : index
      %get3A_823 = vector.load %arg2[%get3A_820, %get3A_821, %get3A_822] : memref<1x256x4096xf32, #tpu.memory_space<vmem>>, vector<1x256x128xf32>
      %get3A_824 = vector.shape_cast %get3A_823 : vector<1x256x128xf32> to vector<256x128xf32>
      %broadcast_in_dim3A_825 = vector.shape_cast %eq3A_819 : vector<256x1xi1> to vector<256x1xi1>
      %broadcast_in_dim3A_826 = vector.broadcast %broadcast_in_dim3A_825 : vector<256x1xi1> to vector<256x128xi1>
      %select_n3A_827 = arith.select %broadcast_in_dim3A_826, %get3A_824, %select_n3A_816 : vector<256x128xi1>, vector<256x128xf32>
      %eq3A_828 = arith.constant 1.700000e+01 : f32
      %eq3A_829 = vector.broadcast %eq3A_828 : f32 to vector<256x1xf32>
      %eq3A_830 = arith.cmpf oeq, %floor3A, %eq3A_829 : vector<256x1xf32>
      %get3A_831 = arith.constant 0 : index
      %get3A_832 = arith.constant 0 : index
      %get3A_833 = arith.constant 2176 : index
      %get3A_834 = vector.load %arg2[%get3A_831, %get3A_832, %get3A_833] : memref<1x256x4096xf32, #tpu.memory_space<vmem>>, vector<1x256x128xf32>
      %get3A_835 = vector.shape_cast %get3A_834 : vector<1x256x128xf32> to vector<256x128xf32>
      %broadcast_in_dim3A_836 = vector.shape_cast %eq3A_830 : vector<256x1xi1> to vector<256x1xi1>
      %broadcast_in_dim3A_837 = vector.broadcast %broadcast_in_dim3A_836 : vector<256x1xi1> to vector<256x128xi1>
      %select_n3A_838 = arith.select %broadcast_in_dim3A_837, %get3A_835, %select_n3A_827 : vector<256x128xi1>, vector<256x128xf32>
      %eq3A_839 = arith.constant 1.800000e+01 : f32
      %eq3A_840 = vector.broadcast %eq3A_839 : f32 to vector<256x1xf32>
      %eq3A_841 = arith.cmpf oeq, %floor3A, %eq3A_840 : vector<256x1xf32>
      %get3A_842 = arith.constant 0 : index
      %get3A_843 = arith.constant 0 : index
      %get3A_844 = arith.constant 2304 : index
      %get3A_845 = vector.load %arg2[%get3A_842, %get3A_843, %get3A_844] : memref<1x256x4096xf32, #tpu.memory_space<vmem>>, vector<1x256x128xf32>
      %get3A_846 = vector.shape_cast %get3A_845 : vector<1x256x128xf32> to vector<256x128xf32>
      %broadcast_in_dim3A_847 = vector.shape_cast %eq3A_841 : vector<256x1xi1> to vector<256x1xi1>
      %broadcast_in_dim3A_848 = vector.broadcast %broadcast_in_dim3A_847 : vector<256x1xi1> to vector<256x128xi1>
      %select_n3A_849 = arith.select %broadcast_in_dim3A_848, %get3A_846, %select_n3A_838 : vector<256x128xi1>, vector<256x128xf32>
      %eq3A_850 = arith.constant 1.900000e+01 : f32
      %eq3A_851 = vector.broadcast %eq3A_850 : f32 to vector<256x1xf32>
      %eq3A_852 = arith.cmpf oeq, %floor3A, %eq3A_851 : vector<256x1xf32>
      %get3A_853 = arith.constant 0 : index
      %get3A_854 = arith.constant 0 : index
      %get3A_855 = arith.constant 2432 : index
      %get3A_856 = vector.load %arg2[%get3A_853, %get3A_854, %get3A_855] : memref<1x256x4096xf32, #tpu.memory_space<vmem>>, vector<1x256x128xf32>
      %get3A_857 = vector.shape_cast %get3A_856 : vector<1x256x128xf32> to vector<256x128xf32>
      %broadcast_in_dim3A_858 = vector.shape_cast %eq3A_852 : vector<256x1xi1> to vector<256x1xi1>
      %broadcast_in_dim3A_859 = vector.broadcast %broadcast_in_dim3A_858 : vector<256x1xi1> to vector<256x128xi1>
      %select_n3A_860 = arith.select %broadcast_in_dim3A_859, %get3A_857, %select_n3A_849 : vector<256x128xi1>, vector<256x128xf32>
      %eq3A_861 = arith.constant 2.000000e+01 : f32
      %eq3A_862 = vector.broadcast %eq3A_861 : f32 to vector<256x1xf32>
      %eq3A_863 = arith.cmpf oeq, %floor3A, %eq3A_862 : vector<256x1xf32>
      %get3A_864 = arith.constant 0 : index
      %get3A_865 = arith.constant 0 : index
      %get3A_866 = arith.constant 2560 : index
      %get3A_867 = vector.load %arg2[%get3A_864, %get3A_865, %get3A_866] : memref<1x256x4096xf32, #tpu.memory_space<vmem>>, vector<1x256x128xf32>
      %get3A_868 = vector.shape_cast %get3A_867 : vector<1x256x128xf32> to vector<256x128xf32>
      %broadcast_in_dim3A_869 = vector.shape_cast %eq3A_863 : vector<256x1xi1> to vector<256x1xi1>
      %broadcast_in_dim3A_870 = vector.broadcast %broadcast_in_dim3A_869 : vector<256x1xi1> to vector<256x128xi1>
      %select_n3A_871 = arith.select %broadcast_in_dim3A_870, %get3A_868, %select_n3A_860 : vector<256x128xi1>, vector<256x128xf32>
      %eq3A_872 = arith.constant 2.100000e+01 : f32
      %eq3A_873 = vector.broadcast %eq3A_872 : f32 to vector<256x1xf32>
      %eq3A_874 = arith.cmpf oeq, %floor3A, %eq3A_873 : vector<256x1xf32>
      %get3A_875 = arith.constant 0 : index
      %get3A_876 = arith.constant 0 : index
      %get3A_877 = arith.constant 2688 : index
      %get3A_878 = vector.load %arg2[%get3A_875, %get3A_876, %get3A_877] : memref<1x256x4096xf32, #tpu.memory_space<vmem>>, vector<1x256x128xf32>
      %get3A_879 = vector.shape_cast %get3A_878 : vector<1x256x128xf32> to vector<256x128xf32>
      %broadcast_in_dim3A_880 = vector.shape_cast %eq3A_874 : vector<256x1xi1> to vector<256x1xi1>
      %broadcast_in_dim3A_881 = vector.broadcast %broadcast_in_dim3A_880 : vector<256x1xi1> to vector<256x128xi1>
      %select_n3A_882 = arith.select %broadcast_in_dim3A_881, %get3A_879, %select_n3A_871 : vector<256x128xi1>, vector<256x128xf32>
      %eq3A_883 = arith.constant 2.200000e+01 : f32
      %eq3A_884 = vector.broadcast %eq3A_883 : f32 to vector<256x1xf32>
      %eq3A_885 = arith.cmpf oeq, %floor3A, %eq3A_884 : vector<256x1xf32>
      %get3A_886 = arith.constant 0 : index
      %get3A_887 = arith.constant 0 : index
      %get3A_888 = arith.constant 2816 : index
      %get3A_889 = vector.load %arg2[%get3A_886, %get3A_887, %get3A_888] : memref<1x256x4096xf32, #tpu.memory_space<vmem>>, vector<1x256x128xf32>
      %get3A_890 = vector.shape_cast %get3A_889 : vector<1x256x128xf32> to vector<256x128xf32>
      %broadcast_in_dim3A_891 = vector.shape_cast %eq3A_885 : vector<256x1xi1> to vector<256x1xi1>
      %broadcast_in_dim3A_892 = vector.broadcast %broadcast_in_dim3A_891 : vector<256x1xi1> to vector<256x128xi1>
      %select_n3A_893 = arith.select %broadcast_in_dim3A_892, %get3A_890, %select_n3A_882 : vector<256x128xi1>, vector<256x128xf32>
      %eq3A_894 = arith.constant 2.300000e+01 : f32
      %eq3A_895 = vector.broadcast %eq3A_894 : f32 to vector<256x1xf32>
      %eq3A_896 = arith.cmpf oeq, %floor3A, %eq3A_895 : vector<256x1xf32>
      %get3A_897 = arith.constant 0 : index
      %get3A_898 = arith.constant 0 : index
      %get3A_899 = arith.constant 2944 : index
      %get3A_900 = vector.load %arg2[%get3A_897, %get3A_898, %get3A_899] : memref<1x256x4096xf32, #tpu.memory_space<vmem>>, vector<1x256x128xf32>
      %get3A_901 = vector.shape_cast %get3A_900 : vector<1x256x128xf32> to vector<256x128xf32>
      %broadcast_in_dim3A_902 = vector.shape_cast %eq3A_896 : vector<256x1xi1> to vector<256x1xi1>
      %broadcast_in_dim3A_903 = vector.broadcast %broadcast_in_dim3A_902 : vector<256x1xi1> to vector<256x128xi1>
      %select_n3A_904 = arith.select %broadcast_in_dim3A_903, %get3A_901, %select_n3A_893 : vector<256x128xi1>, vector<256x128xf32>
      %eq3A_905 = arith.constant 2.400000e+01 : f32
      %eq3A_906 = vector.broadcast %eq3A_905 : f32 to vector<256x1xf32>
      %eq3A_907 = arith.cmpf oeq, %floor3A, %eq3A_906 : vector<256x1xf32>
      %get3A_908 = arith.constant 0 : index
      %get3A_909 = arith.constant 0 : index
      %get3A_910 = arith.constant 3072 : index
      %get3A_911 = vector.load %arg2[%get3A_908, %get3A_909, %get3A_910] : memref<1x256x4096xf32, #tpu.memory_space<vmem>>, vector<1x256x128xf32>
      %get3A_912 = vector.shape_cast %get3A_911 : vector<1x256x128xf32> to vector<256x128xf32>
      %broadcast_in_dim3A_913 = vector.shape_cast %eq3A_907 : vector<256x1xi1> to vector<256x1xi1>
      %broadcast_in_dim3A_914 = vector.broadcast %broadcast_in_dim3A_913 : vector<256x1xi1> to vector<256x128xi1>
      %select_n3A_915 = arith.select %broadcast_in_dim3A_914, %get3A_912, %select_n3A_904 : vector<256x128xi1>, vector<256x128xf32>
      %eq3A_916 = arith.constant 2.500000e+01 : f32
      %eq3A_917 = vector.broadcast %eq3A_916 : f32 to vector<256x1xf32>
      %eq3A_918 = arith.cmpf oeq, %floor3A, %eq3A_917 : vector<256x1xf32>
      %get3A_919 = arith.constant 0 : index
      %get3A_920 = arith.constant 0 : index
      %get3A_921 = arith.constant 3200 : index
      %get3A_922 = vector.load %arg2[%get3A_919, %get3A_920, %get3A_921] : memref<1x256x4096xf32, #tpu.memory_space<vmem>>, vector<1x256x128xf32>
      %get3A_923 = vector.shape_cast %get3A_922 : vector<1x256x128xf32> to vector<256x128xf32>
      %broadcast_in_dim3A_924 = vector.shape_cast %eq3A_918 : vector<256x1xi1> to vector<256x1xi1>
      %broadcast_in_dim3A_925 = vector.broadcast %broadcast_in_dim3A_924 : vector<256x1xi1> to vector<256x128xi1>
      %select_n3A_926 = arith.select %broadcast_in_dim3A_925, %get3A_923, %select_n3A_915 : vector<256x128xi1>, vector<256x128xf32>
      %eq3A_927 = arith.constant 2.600000e+01 : f32
      %eq3A_928 = vector.broadcast %eq3A_927 : f32 to vector<256x1xf32>
      %eq3A_929 = arith.cmpf oeq, %floor3A, %eq3A_928 : vector<256x1xf32>
      %get3A_930 = arith.constant 0 : index
      %get3A_931 = arith.constant 0 : index
      %get3A_932 = arith.constant 3328 : index
      %get3A_933 = vector.load %arg2[%get3A_930, %get3A_931, %get3A_932] : memref<1x256x4096xf32, #tpu.memory_space<vmem>>, vector<1x256x128xf32>
      %get3A_934 = vector.shape_cast %get3A_933 : vector<1x256x128xf32> to vector<256x128xf32>
      %broadcast_in_dim3A_935 = vector.shape_cast %eq3A_929 : vector<256x1xi1> to vector<256x1xi1>
      %broadcast_in_dim3A_936 = vector.broadcast %broadcast_in_dim3A_935 : vector<256x1xi1> to vector<256x128xi1>
      %select_n3A_937 = arith.select %broadcast_in_dim3A_936, %get3A_934, %select_n3A_926 : vector<256x128xi1>, vector<256x128xf32>
      %eq3A_938 = arith.constant 2.700000e+01 : f32
      %eq3A_939 = vector.broadcast %eq3A_938 : f32 to vector<256x1xf32>
      %eq3A_940 = arith.cmpf oeq, %floor3A, %eq3A_939 : vector<256x1xf32>
      %get3A_941 = arith.constant 0 : index
      %get3A_942 = arith.constant 0 : index
      %get3A_943 = arith.constant 3456 : index
      %get3A_944 = vector.load %arg2[%get3A_941, %get3A_942, %get3A_943] : memref<1x256x4096xf32, #tpu.memory_space<vmem>>, vector<1x256x128xf32>
      %get3A_945 = vector.shape_cast %get3A_944 : vector<1x256x128xf32> to vector<256x128xf32>
      %broadcast_in_dim3A_946 = vector.shape_cast %eq3A_940 : vector<256x1xi1> to vector<256x1xi1>
      %broadcast_in_dim3A_947 = vector.broadcast %broadcast_in_dim3A_946 : vector<256x1xi1> to vector<256x128xi1>
      %select_n3A_948 = arith.select %broadcast_in_dim3A_947, %get3A_945, %select_n3A_937 : vector<256x128xi1>, vector<256x128xf32>
      %eq3A_949 = arith.constant 2.800000e+01 : f32
      %eq3A_950 = vector.broadcast %eq3A_949 : f32 to vector<256x1xf32>
      %eq3A_951 = arith.cmpf oeq, %floor3A, %eq3A_950 : vector<256x1xf32>
      %get3A_952 = arith.constant 0 : index
      %get3A_953 = arith.constant 0 : index
      %get3A_954 = arith.constant 3584 : index
      %get3A_955 = vector.load %arg2[%get3A_952, %get3A_953, %get3A_954] : memref<1x256x4096xf32, #tpu.memory_space<vmem>>, vector<1x256x128xf32>
      %get3A_956 = vector.shape_cast %get3A_955 : vector<1x256x128xf32> to vector<256x128xf32>
      %broadcast_in_dim3A_957 = vector.shape_cast %eq3A_951 : vector<256x1xi1> to vector<256x1xi1>
      %broadcast_in_dim3A_958 = vector.broadcast %broadcast_in_dim3A_957 : vector<256x1xi1> to vector<256x128xi1>
      %select_n3A_959 = arith.select %broadcast_in_dim3A_958, %get3A_956, %select_n3A_948 : vector<256x128xi1>, vector<256x128xf32>
      %eq3A_960 = arith.constant 2.900000e+01 : f32
      %eq3A_961 = vector.broadcast %eq3A_960 : f32 to vector<256x1xf32>
      %eq3A_962 = arith.cmpf oeq, %floor3A, %eq3A_961 : vector<256x1xf32>
      %get3A_963 = arith.constant 0 : index
      %get3A_964 = arith.constant 0 : index
      %get3A_965 = arith.constant 3712 : index
      %get3A_966 = vector.load %arg2[%get3A_963, %get3A_964, %get3A_965] : memref<1x256x4096xf32, #tpu.memory_space<vmem>>, vector<1x256x128xf32>
      %get3A_967 = vector.shape_cast %get3A_966 : vector<1x256x128xf32> to vector<256x128xf32>
      %broadcast_in_dim3A_968 = vector.shape_cast %eq3A_962 : vector<256x1xi1> to vector<256x1xi1>
      %broadcast_in_dim3A_969 = vector.broadcast %broadcast_in_dim3A_968 : vector<256x1xi1> to vector<256x128xi1>
      %select_n3A_970 = arith.select %broadcast_in_dim3A_969, %get3A_967, %select_n3A_959 : vector<256x128xi1>, vector<256x128xf32>
      %eq3A_971 = arith.constant 3.000000e+01 : f32
      %eq3A_972 = vector.broadcast %eq3A_971 : f32 to vector<256x1xf32>
      %eq3A_973 = arith.cmpf oeq, %floor3A, %eq3A_972 : vector<256x1xf32>
      %get3A_974 = arith.constant 0 : index
      %get3A_975 = arith.constant 0 : index
      %get3A_976 = arith.constant 3840 : index
      %get3A_977 = vector.load %arg2[%get3A_974, %get3A_975, %get3A_976] : memref<1x256x4096xf32, #tpu.memory_space<vmem>>, vector<1x256x128xf32>
      %get3A_978 = vector.shape_cast %get3A_977 : vector<1x256x128xf32> to vector<256x128xf32>
      %broadcast_in_dim3A_979 = vector.shape_cast %eq3A_973 : vector<256x1xi1> to vector<256x1xi1>
      %broadcast_in_dim3A_980 = vector.broadcast %broadcast_in_dim3A_979 : vector<256x1xi1> to vector<256x128xi1>
      %select_n3A_981 = arith.select %broadcast_in_dim3A_980, %get3A_978, %select_n3A_970 : vector<256x128xi1>, vector<256x128xf32>
      %eq3A_982 = arith.constant 3.100000e+01 : f32
      %eq3A_983 = vector.broadcast %eq3A_982 : f32 to vector<256x1xf32>
      %eq3A_984 = arith.cmpf oeq, %floor3A, %eq3A_983 : vector<256x1xf32>
      %get3A_985 = arith.constant 0 : index
      %get3A_986 = arith.constant 0 : index
      %get3A_987 = arith.constant 3968 : index
      %get3A_988 = vector.load %arg2[%get3A_985, %get3A_986, %get3A_987] : memref<1x256x4096xf32, #tpu.memory_space<vmem>>, vector<1x256x128xf32>
      %get3A_989 = vector.shape_cast %get3A_988 : vector<1x256x128xf32> to vector<256x128xf32>
      %broadcast_in_dim3A_990 = vector.shape_cast %eq3A_984 : vector<256x1xi1> to vector<256x1xi1>
      %broadcast_in_dim3A_991 = vector.broadcast %broadcast_in_dim3A_990 : vector<256x1xi1> to vector<256x128xi1>
      %select_n3A_992 = arith.select %broadcast_in_dim3A_991, %get3A_989, %select_n3A_981 : vector<256x128xi1>, vector<256x128xf32>
      %mul3A_993 = arith.constant 1.280000e+02 : f32
      %mul3A_994 = vector.broadcast %mul3A_993 : f32 to vector<256x1xf32>
      %mul3A_995 = arith.mulf %floor3A, %mul3A_994 : vector<256x1xf32>
      %add3A_996 = vector.broadcast %mul3A_995 : vector<256x1xf32> to vector<256x128xf32>
      %add3A_997 = arith.addf %add3A_996, %convert_element_type3A : vector<256x128xf32>
      %gt3A = vector.broadcast %broadcast_in_dim3A_629 : vector<256x1xf32> to vector<256x128xf32>
      %gt3A_998 = arith.cmpf ogt, %select_n3A_992, %gt3A : vector<256x128xf32>
      %eq3A_999 = vector.broadcast %broadcast_in_dim3A_629 : vector<256x1xf32> to vector<256x128xf32>
      %eq3A_1000 = arith.cmpf oeq, %select_n3A_992, %eq3A_999 : vector<256x128xf32>
      %gt3A_1001 = vector.broadcast %broadcast_in_dim3A_637 : vector<256x1xf32> to vector<256x128xf32>
      %gt3A_1002 = arith.cmpf ogt, %add3A_997, %gt3A_1001 : vector<256x128xf32>
      %and3A = arith.andi %eq3A_1000, %gt3A_1002 : vector<256x128xi1>
      %or3A = arith.ori %gt3A_998, %and3A : vector<256x128xi1>
      %broadcast_in_dim3A_1003 = vector.broadcast %scan3A : f32 to vector<256x128xf32>
      %select_n3A_1004 = arith.select %or3A, %select_n3A_992, %broadcast_in_dim3A_1003 : vector<256x128xi1>, vector<256x128xf32>
      %reduce_min3A_1005 = arith.constant dense<0x7F800000> : vector<256xf32>
      %reduce_min3A_1006 = vector.multi_reduction <minimumf>, %select_n3A_1004, %reduce_min3A_1005 [1] : vector<256x128xf32> to vector<256xf32>
      %broadcast_in_dim3A_1007 = vector.shape_cast %reduce_min3A_1006 : vector<256xf32> to vector<256x1xf32>
      %eq3A_1008 = vector.broadcast %broadcast_in_dim3A_1007 : vector<256x1xf32> to vector<256x128xf32>
      %eq3A_1009 = arith.cmpf oeq, %select_n3A_1004, %eq3A_1008 : vector<256x128xf32>
      %jit3A_1010 = arith.constant 4.096000e+03 : f32
      %broadcast_in_dim3A_1011 = vector.broadcast %jit3A_1010 : f32 to vector<256x128xf32>
      %select_n3A_1012 = arith.select %eq3A_1009, %add3A_997, %broadcast_in_dim3A_1011 : vector<256x128xi1>, vector<256x128xf32>
      %reduce_min3A_1013 = arith.constant dense<0x7F800000> : vector<256xf32>
      %reduce_min3A_1014 = vector.multi_reduction <minimumf>, %select_n3A_1012, %reduce_min3A_1013 [1] : vector<256x128xf32> to vector<256xf32>
      %broadcast_in_dim3A_1015 = vector.shape_cast %reduce_min3A_1014 : vector<256xf32> to vector<256x1xf32>
      %eq3A_1016 = vector.broadcast %floor3A : vector<256x1xf32> to vector<256x32xf32>
      %eq3A_1017 = arith.cmpf oeq, %convert_element_type3A_1, %eq3A_1016 : vector<256x32xf32>
      %broadcast_in_dim3A_1018 = vector.shape_cast %broadcast_in_dim3A_1007 : vector<256x1xf32> to vector<256x1xf32>
      %broadcast_in_dim3A_1019 = vector.broadcast %broadcast_in_dim3A_1018 : vector<256x1xf32> to vector<256x32xf32>
      %select_n3A_1020 = arith.select %eq3A_1017, %broadcast_in_dim3A_1019, %scan3A_624 : vector<256x32xi1>, vector<256x32xf32>
      %eq3A_1021 = vector.broadcast %floor3A : vector<256x1xf32> to vector<256x32xf32>
      %eq3A_1022 = arith.cmpf oeq, %convert_element_type3A_1, %eq3A_1021 : vector<256x32xf32>
      %broadcast_in_dim3A_1023 = vector.shape_cast %broadcast_in_dim3A_1015 : vector<256x1xf32> to vector<256x1xf32>
      %broadcast_in_dim3A_1024 = vector.broadcast %broadcast_in_dim3A_1023 : vector<256x1xf32> to vector<256x32xf32>
      %select_n3A_1025 = arith.select %eq3A_1022, %broadcast_in_dim3A_1024, %scan3A_625 : vector<256x32xi1>, vector<256x32xf32>
      scf.yield %select_n3A_1020, %select_n3A_1025, %select_n3A_643 : vector<256x32xf32>, vector<256x32xf32>, vector<256x16xf32>
    }
    %scan3A_613 = arith.constant 16 : i32
    %convert_element_type3A_614 = arith.fptosi %scan3A_612#2 : vector<256x16xf32> to vector<256x16xi32>
    %mul3A = arith.constant 4096 : i32
    %mul3A_615 = arith.muli %arg0, %mul3A : i32
    %add3A_616 = vector.broadcast %mul3A_615 : i32 to vector<256x16xi32>
    %add3A_617 = arith.addi %convert_element_type3A_614, %add3A_616 : vector<256x16xi32>
    %swap3A = arith.constant 0 : index
    %swap3A_618 = arith.constant 0 : index
    %swap3A_619 = arith.constant 0 : index
    %swap3A_620 = vector.load %arg3[%swap3A, %swap3A_618, %swap3A_619] : memref<1x256x16xi32, #tpu.memory_space<vmem>>, vector<1x256x16xi32>
    %swap3A_621 = vector.shape_cast %swap3A_620 : vector<1x256x16xi32> to vector<256x16xi32>
    %swap3A_622 = vector.shape_cast %add3A_617 : vector<256x16xi32> to vector<1x256x16xi32>
    tpu.vector_store %arg3[%swap3A, %swap3A_618, %swap3A_619], %swap3A_622 {strides = array<i32>} : memref<1x256x16xi32, #tpu.memory_space<vmem>>, vector<1x256x16xi32>,
    return
  }
  func.func @transform_0(%arg0: i32, %arg1: i32) -> (i32, i32, i32) {
    %c0_i32 = arith.constant 0 : i32
    %c0_i32_0 = arith.constant 0 : i32
    return %arg0, %arg1, %c0_i32 : i32, i32, i32
  }
  func.func @transform_1(%arg0: i32, %arg1: i32) -> (i32, i32, i32) {
    %c0_i32 = arith.constant 0 : i32
    %c0_i32_0 = arith.constant 0 : i32
    return %arg0, %arg1, %c0_i32 : i32, i32, i32
  }
}

module attributes {stable_mosaic.version = 14 : i64} {
  func.func @_attn_body(%arg0: i32, %arg1: memref<128x256xf32, #tpu.memory_space<vmem>>, %arg2: memref<2048x256xf32, #tpu.memory_space<vmem>>, %arg3: memref<256x256xf32, #tpu.memory_space<vmem>>, %arg4: memref<256x256xf32, #tpu.memory_space<vmem>>, %arg5: memref<256x256xf32, #tpu.memory_space<vmem>>, %arg6: memref<256x256xf32, #tpu.memory_space<vmem>>, %arg7: memref<1x256xf32, #tpu.memory_space<vmem>>, %arg8: memref<128x256xf32, #tpu.memory_space<vmem>>) attributes {dimension_semantics = [#tpu.dimension_semantics<arbitrary>], iteration_bounds = array<i64: 64>, scalar_prefetch = 0 : i64, scratch_operands = 0 : i64, tpu.core_type = #tpu.core_type<tc>, window_params = [{transform_indices = @transform_0, window_bounds = array<i64: 128, 256>}, {transform_indices = @transform_1, window_bounds = array<i64: 2048, 256>}, {pipeline_mode = #tpu.pipeline_mode<synchronous>, transform_indices = @transform_2, window_bounds = array<i64: 256, 256>}, {pipeline_mode = #tpu.pipeline_mode<synchronous>, transform_indices = @transform_3, window_bounds = array<i64: 256, 256>}, {pipeline_mode = #tpu.pipeline_mode<synchronous>, transform_indices = @transform_4, window_bounds = array<i64: 256, 256>}, {pipeline_mode = #tpu.pipeline_mode<synchronous>, transform_indices = @transform_5, window_bounds = array<i64: 256, 256>}, {pipeline_mode = #tpu.pipeline_mode<synchronous>, transform_indices = @transform_6, window_bounds = array<i64: 1, 256>}, {transform_indices = @transform_7, window_bounds = array<i64: 128, 256>}]} {
    %get3A = arith.constant 0 : index
    %get3A_0 = arith.constant 0 : index
    %get3A_1 = vector.load %arg1[%get3A, %get3A_0] : memref<128x256xf32, #tpu.memory_space<vmem>>, vector<128x256xf32>
    %convert_element_type3A = arith.truncf %get3A_1 : vector<128x256xf32> to vector<128x256xbf16>
    %get3A_2 = arith.constant 0 : index
    %get3A_3 = arith.constant 0 : index
    %get3A_4 = vector.load %arg3[%get3A_2, %get3A_3] : memref<256x256xf32, #tpu.memory_space<vmem>>, vector<256x256xf32>
    %convert_element_type3A_5 = arith.truncf %get3A_4 : vector<256x256xf32> to vector<256x256xbf16>
    %dot_general3A = arith.constant dense<0.000000e+00> : vector<128x256xf32>
    %dot_general3A_6 = tpu.matmul %convert_element_type3A, %convert_element_type3A_5, %dot_general3A {dimension_numbers = #tpu.dot_dimension_numbers<[1], [1], [0], [0], [0, 0, 1, 0], [], []>, transpose_lhs_hint = false} : vector<128x256xbf16>, vector<256x256xbf16>, vector<128x256xf32> -> vector<128x256xf32>
    %get3A_7 = arith.constant 0 : index
    %get3A_8 = arith.constant 0 : index
    %get3A_9 = vector.load %arg2[%get3A_7, %get3A_8] : memref<2048x256xf32, #tpu.memory_space<vmem>>, vector<2048x256xf32>
    %convert_element_type3A_10 = arith.truncf %get3A_9 : vector<2048x256xf32> to vector<2048x256xbf16>
    %get3A_11 = arith.constant 0 : index
    %get3A_12 = arith.constant 0 : index
    %get3A_13 = vector.load %arg4[%get3A_11, %get3A_12] : memref<256x256xf32, #tpu.memory_space<vmem>>, vector<256x256xf32>
    %convert_element_type3A_14 = arith.truncf %get3A_13 : vector<256x256xf32> to vector<256x256xbf16>
    %dot_general3A_15 = arith.constant dense<0.000000e+00> : vector<2048x256xf32>
    %dot_general3A_16 = tpu.matmul %convert_element_type3A_10, %convert_element_type3A_14, %dot_general3A_15 {dimension_numbers = #tpu.dot_dimension_numbers<[1], [1], [0], [0], [0, 0, 1, 0], [], []>, transpose_lhs_hint = false} : vector<2048x256xbf16>, vector<256x256xbf16>, vector<2048x256xf32> -> vector<2048x256xf32>
    %get3A_17 = arith.constant 0 : index
    %get3A_18 = arith.constant 0 : index
    %get3A_19 = vector.load %arg5[%get3A_17, %get3A_18] : memref<256x256xf32, #tpu.memory_space<vmem>>, vector<256x256xf32>
    %convert_element_type3A_20 = arith.truncf %get3A_19 : vector<256x256xf32> to vector<256x256xbf16>
    %dot_general3A_21 = arith.constant dense<0.000000e+00> : vector<2048x256xf32>
    %dot_general3A_22 = tpu.matmul %convert_element_type3A_10, %convert_element_type3A_20, %dot_general3A_21 {dimension_numbers = #tpu.dot_dimension_numbers<[1], [1], [0], [0], [0, 0, 1, 0], [], []>, transpose_lhs_hint = false} : vector<2048x256xbf16>, vector<256x256xbf16>, vector<2048x256xf32> -> vector<2048x256xf32>
    %iota3A = tpu.iota {dimensions = array<i32: 0>} : vector<256x8xi32>
    %iota3A_23 = tpu.iota {dimensions = array<i32: 1>} : vector<256x8xi32>
    %jit3A = arith.constant 32 : i32
    %div3A = vector.broadcast %jit3A : i32 to vector<256x8xi32>
    %div3A_24 = arith.divsi %iota3A, %div3A : vector<256x8xi32>
    %sign3A = arith.constant 0 : i32
    %sign3A_25 = vector.broadcast %sign3A : i32 to vector<256x8xi32>
    %sign3A_26 = arith.cmpi sgt, %iota3A, %sign3A_25 : vector<256x8xi32>
    %sign3A_27 = arith.extui %sign3A_26 : vector<256x8xi1> to vector<256x8xi32>
    %sign3A_28 = arith.constant 0 : i32
    %sign3A_29 = vector.broadcast %sign3A_28 : i32 to vector<256x8xi32>
    %sign3A_30 = arith.cmpi slt, %iota3A, %sign3A_29 : vector<256x8xi32>
    %sign3A_31 = arith.extui %sign3A_30 : vector<256x8xi1> to vector<256x8xi32>
    %sign3A_32 = arith.subi %sign3A_27, %sign3A_31 : vector<256x8xi32>
    %sign3A_33 = arith.constant 0 : i32
    %sign3A_34 = arith.cmpi sgt, %jit3A, %sign3A_33 : i32
    %sign3A_35 = arith.extui %sign3A_34 : i1 to i32
    %sign3A_36 = arith.constant 0 : i32
    %sign3A_37 = arith.cmpi slt, %jit3A, %sign3A_36 : i32
    %sign3A_38 = arith.extui %sign3A_37 : i1 to i32
    %sign3A_39 = arith.subi %sign3A_35, %sign3A_38 : i32
    %ne3A = vector.broadcast %sign3A_39 : i32 to vector<256x8xi32>
    %ne3A_40 = arith.cmpi ne, %sign3A_32, %ne3A : vector<256x8xi32>
    %rem3A = vector.broadcast %jit3A : i32 to vector<256x8xi32>
    %rem3A_41 = arith.remsi %iota3A, %rem3A : vector<256x8xi32>
    %ne3A_42 = arith.constant 0 : i32
    %ne3A_43 = vector.broadcast %ne3A_42 : i32 to vector<256x8xi32>
    %ne3A_44 = arith.cmpi ne, %rem3A_41, %ne3A_43 : vector<256x8xi32>
    %and3A = arith.andi %ne3A_40, %ne3A_44 : vector<256x8xi1>
    %sub3A = arith.constant 1 : i32
    %sub3A_45 = vector.broadcast %sub3A : i32 to vector<256x8xi32>
    %sub3A_46 = arith.subi %div3A_24, %sub3A_45 : vector<256x8xi32>
    %select_n3A = arith.select %and3A, %sub3A_46, %div3A_24 : vector<256x8xi1>, vector<256x8xi32>
    %eq3A = arith.cmpi eq, %select_n3A, %iota3A_23 : vector<256x8xi32>
    %convert_element_type3A_47 = arith.extui %eq3A : vector<256x8xi1> to vector<256x8xi32>
    %convert_element_type3A_48 = arith.sitofp %convert_element_type3A_47 : vector<256x8xi32> to vector<256x8xf32>
    %broadcast_in_dim3A = vector.shape_cast %dot_general3A_6 : vector<128x256xf32> to vector<128x1x256xf32>
    %broadcast_in_dim3A_49 = vector.shape_cast %broadcast_in_dim3A : vector<128x1x256xf32> to vector<128x1x256xf32>
    %broadcast_in_dim3A_50 = vector.broadcast %broadcast_in_dim3A_49 : vector<128x1x256xf32> to vector<128x16x256xf32>
    %reshape3A = vector.shape_cast %broadcast_in_dim3A_50 : vector<128x16x256xf32> to vector<2048x256xf32>
    %mul3A = arith.mulf %reshape3A, %dot_general3A_16 : vector<2048x256xf32>
    %dot_general3A_51 = arith.constant dense<0.000000e+00> : vector<2048x8xf32>
    %dot_general3A_52 = tpu.matmul %mul3A, %convert_element_type3A_48, %dot_general3A_51 {dimension_numbers = #tpu.dot_dimension_numbers<[1], [0], [0], [1], [0, 0, 1, 1], [], []>, transpose_lhs_hint = false} : vector<2048x256xf32>, vector<256x8xf32>, vector<2048x8xf32> -> vector<2048x8xf32>
    %mul3A_53 = arith.constant 0.176776692 : f32
    %mul3A_54 = vector.broadcast %mul3A_53 : f32 to vector<2048x8xf32>
    %mul3A_55 = arith.mulf %dot_general3A_52, %mul3A_54 : vector<2048x8xf32>
    %reshape3A_56 = vector.shape_cast %mul3A_55 : vector<2048x8xf32> to vector<128x16x8xf32>
    %reduce_max3A = arith.constant dense<0xFF800000> : vector<128x8xf32>
    %reduce_max3A_57 = vector.multi_reduction <maximumf>, %reshape3A_56, %reduce_max3A [1] : vector<128x16x8xf32> to vector<128x8xf32>
    %broadcast_in_dim3A_58 = vector.shape_cast %reduce_max3A_57 : vector<128x8xf32> to vector<128x1x8xf32>
    %sub3A_59 = vector.broadcast %broadcast_in_dim3A_58 : vector<128x1x8xf32> to vector<128x16x8xf32>
    %sub3A_60 = arith.subf %reshape3A_56, %sub3A_59 : vector<128x16x8xf32>
    %exp3A = math.exp %sub3A_60 : vector<128x16x8xf32>
    %reduce_sum3A = arith.constant dense<0.000000e+00> : vector<128x8xf32>
    %reduce_sum3A_61 = vector.multi_reduction <add>, %exp3A, %reduce_sum3A [1] : vector<128x16x8xf32> to vector<128x8xf32>
    %broadcast_in_dim3A_62 = vector.shape_cast %reduce_sum3A_61 : vector<128x8xf32> to vector<128x1x8xf32>
    %div3A_63 = vector.broadcast %broadcast_in_dim3A_62 : vector<128x1x8xf32> to vector<128x16x8xf32>
    %div3A_64 = arith.divf %exp3A, %div3A_63 : vector<128x16x8xf32>
    %reshape3A_65 = vector.shape_cast %div3A_64 : vector<128x16x8xf32> to vector<2048x8xf32>
    %dot_general3A_66 = arith.constant dense<0.000000e+00> : vector<2048x256xf32>
    %dot_general3A_67 = tpu.matmul %reshape3A_65, %convert_element_type3A_48, %dot_general3A_66 {dimension_numbers = #tpu.dot_dimension_numbers<[1], [1], [0], [0], [0, 0, 1, 0], [], []>, transpose_lhs_hint = false} : vector<2048x8xf32>, vector<256x8xf32>, vector<2048x256xf32> -> vector<2048x256xf32>
    %mul3A_68 = arith.mulf %dot_general3A_67, %dot_general3A_22 : vector<2048x256xf32>
    %reshape3A_69 = vector.shape_cast %mul3A_68 : vector<2048x256xf32> to vector<128x16x256xf32>
    %reduce_sum3A_70 = arith.constant dense<0.000000e+00> : vector<128x256xf32>
    %reduce_sum3A_71 = vector.multi_reduction <add>, %reshape3A_69, %reduce_sum3A_70 [1] : vector<128x16x256xf32> to vector<128x256xf32>
    %convert_element_type3A_72 = arith.truncf %reduce_sum3A_71 : vector<128x256xf32> to vector<128x256xbf16>
    %get3A_73 = arith.constant 0 : index
    %get3A_74 = arith.constant 0 : index
    %get3A_75 = vector.load %arg6[%get3A_73, %get3A_74] : memref<256x256xf32, #tpu.memory_space<vmem>>, vector<256x256xf32>
    %convert_element_type3A_76 = arith.truncf %get3A_75 : vector<256x256xf32> to vector<256x256xbf16>
    %dot_general3A_77 = arith.constant dense<0.000000e+00> : vector<128x256xf32>
    %dot_general3A_78 = tpu.matmul %convert_element_type3A_72, %convert_element_type3A_76, %dot_general3A_77 {dimension_numbers = #tpu.dot_dimension_numbers<[1], [1], [0], [0], [0, 0, 1, 0], [], []>, transpose_lhs_hint = false} : vector<128x256xbf16>, vector<256x256xbf16>, vector<128x256xf32> -> vector<128x256xf32>
    %get3A_79 = arith.constant 0 : index
    %get3A_80 = arith.constant 0 : index
    %get3A_81 = vector.load %arg7[%get3A_79, %get3A_80] : memref<1x256xf32, #tpu.memory_space<vmem>>, vector<1x256xf32>
    %add3A = vector.broadcast %get3A_81 : vector<1x256xf32> to vector<128x256xf32>
    %add3A_82 = arith.addf %dot_general3A_78, %add3A : vector<128x256xf32>
    %swap3A = arith.constant 0 : index
    %swap3A_83 = arith.constant 0 : index
    %swap3A_84 = vector.load %arg8[%swap3A, %swap3A_83] : memref<128x256xf32, #tpu.memory_space<vmem>>, vector<128x256xf32>
    tpu.vector_store %arg8[%swap3A, %swap3A_83], %add3A_82 {strides = array<i32>} : memref<128x256xf32, #tpu.memory_space<vmem>>, vector<128x256xf32>,
    return
  }
  func.func @transform_0(%arg0: i32) -> (i32, i32) {
    %c0_i32 = arith.constant 0 : i32
    %c0_i32_0 = arith.constant 0 : i32
    return %arg0, %c0_i32 : i32, i32
  }
  func.func @transform_1(%arg0: i32) -> (i32, i32) {
    %c0_i32 = arith.constant 0 : i32
    %c0_i32_0 = arith.constant 0 : i32
    return %arg0, %c0_i32 : i32, i32
  }
  func.func @transform_2(%arg0: i32) -> (i32, i32) {
    %c0_i32 = arith.constant 0 : i32
    %c0_i32_0 = arith.constant 0 : i32
    %c0_i32_1 = arith.constant 0 : i32
    return %c0_i32, %c0_i32_0 : i32, i32
  }
  func.func @transform_3(%arg0: i32) -> (i32, i32) {
    %c0_i32 = arith.constant 0 : i32
    %c0_i32_0 = arith.constant 0 : i32
    %c0_i32_1 = arith.constant 0 : i32
    return %c0_i32, %c0_i32_0 : i32, i32
  }
  func.func @transform_4(%arg0: i32) -> (i32, i32) {
    %c0_i32 = arith.constant 0 : i32
    %c0_i32_0 = arith.constant 0 : i32
    %c0_i32_1 = arith.constant 0 : i32
    return %c0_i32, %c0_i32_0 : i32, i32
  }
  func.func @transform_5(%arg0: i32) -> (i32, i32) {
    %c0_i32 = arith.constant 0 : i32
    %c0_i32_0 = arith.constant 0 : i32
    %c0_i32_1 = arith.constant 0 : i32
    return %c0_i32, %c0_i32_0 : i32, i32
  }
  func.func @transform_6(%arg0: i32) -> (i32, i32) {
    %c0_i32 = arith.constant 0 : i32
    %c0_i32_0 = arith.constant 0 : i32
    %c0_i32_1 = arith.constant 0 : i32
    return %c0_i32, %c0_i32_0 : i32, i32
  }
  func.func @transform_7(%arg0: i32) -> (i32, i32) {
    %c0_i32 = arith.constant 0 : i32
    %c0_i32_0 = arith.constant 0 : i32
    return %arg0, %c0_i32 : i32, i32
  }
}

</mosaic_0001>

<sc_bundles>
// kernel: kernel.5.cloned.1.call-start
scs
__scs_entry_jumppad:
0x0: {  	(pc) =	sbr.rel $0x88, $3  }
0x1: {  	(tag) =	ssettag $0x0;
	lr =	simm.s32 $0x1  }
0x2: {  	[smem:$0x3F99] =	sst lr;
	_ =	strace $0xD0000000  }
0x3: {  	_ = 	snop  }
0x4: {  	_ = 	snop  }
0x5: {  	_ = 	snop  }
0x6: {  	_ = 	snop  }
0x7: {  	_ = 	snop  }
__scs_overlays_trampoline_lowered:
0x8: {  	[smem:$0x3FA8] =	sst s0  }
0x9: {  	[smem:$0x3FA9] =	sst s1  }
0xa: {  	[smem:$0x3FAA] =	sst s2  }
0xb: {  	[smem:$0x3FAB] =	sst s3  }
0xc: {  	[smem:$0x3FAC] =	sst s4  }
0xd: {  	[smem:$0x3FAD] =	sst s5  }
0xe: {  	[smem:$0x3FAE] =	sst s6  }
0xf: {  	[smem:$0x3FAF] =	sst s7  }
0x10: {  	[smem:$0x3FB0] =	sst s8  }
0x11: {  	[smem:$0x3FB1] =	sst s9;
	s0 =	simm.s32 @!p0 $0x0  }
0x12: {  	s1 =	sld [smem:$0x3F97];
	s0 =	simm.s32 @p0 $0x1  }
0x13: {  	[smem:$0x3FB2] =	sst s0;
	s0 =	simm.s32 @!p1 $0x0  }
0x14: {  	s2 =	sld [smem:$0x3F96];
	s0 =	simm.s32 @p1 $0x1  }
0x15: {  	[smem:$0x3FB3] =	sst s0;
	s0 =	simm.s32 @!p2 $0x0  }
0x16: {  	s3 =	sld [smem:$0x3FDB];
	s0 =	simm.s32 @p2 $0x1  }
0x17: {  	s4 =	simm.s32 $0x1BF5;
	[smem:$0x3FB5] =	sst s0  }
0x18: {  	s0 =	sld [smem:$0x3F98];
	_ =	swait.ge [sflag:s4], $0x0  }
0x19: {  	s7 =	sld [smem:$0x3F99]  }
0x1a: {  	s8 =	sadd.s32 $0xFFFFE003, lr  }
0x1b: {  	s9 =	sadd.s32 $0xFFFFFEF7, lr;
	s5 =	simm.s32 $0xFFFFFFFF;
	p2 =	slt.u32 s8, $0xFFFFF086  }
0x1c: {  	p1 =	slt.u32 s9, $0xF7A;
	s5 =	simm.s32 @!p2 $0x0  }
0x1d: {  	s5 =	simm.s32 @p1 $0x1;
	p0 =	seq.s32 s7, s2  }
0x1e: {  	s7 =	smul.u32 @!p0 $0xF7A, s2;
	p2 =	seq.s32 @!p0 s5, $0x0  }
0x1f: {  	s9 =	smul.u32 $0xF7A, s1;
	s8 =	simm.s32 @!p0 $0x1BF5;
	p2 =	por !p2, p0  }
0x20: {  	[sflag:s8] =	ssyncset.s32 @!p0 $0xFFFFF086;
	s6 =	sadd.s32 @!p0 s3, s7;
	s7 =	simm.s32 @!p0 $0x108  }
0x21: {  	s3 =	sadd.s32 s3, s9;
	s6 =	sadd.s32 @!p0 $0x88, s6;
	s7 =	simm.s32 @p2 $0x1082  }
0x22: {  	[simem:s7], [sflag:s8] =	dma.local @!p0 [hbm:s6], $0xF7A  }
0x23: {  	s9 =	sor.u32 $0xD0000000, s2;
	s6 =	simm.s32 $0x108;
	_ =	swait.ge @!p0 [sflag:s8], $0x0  }
0x24: {  	s3 =	sadd.s32 $0x88, s3;
	s6 =	simm.s32 @!p1 $0x1082;
	[sflag:s4] =	ssyncset.s32 $0xFFFFF086  }
0x25: {  	[simem:s6], [sflag:s4] =	dma.local [hbm:s3], $0xF7A  }
0x26: {  	[smem:$0x3F99] =	sst s1;
	(tag) =	ssettag s2;
	_ =	strace s9  }
0x27: {  	s1 =	sld [smem:$0x3FA9]  }
0x28: {  	s2 =	sld [smem:$0x3FAA]  }
0x29: {  	s4 =	sld [smem:$0x3FAC]  }
0x2a: {  	p0 =	seq.s32 s5, $0x0;
	s5 =	sld [smem:$0x3FAD]  }
0x2b: {  	s6 =	sld [smem:$0x3FAE]  }
0x2c: {  	s7 =	sld [smem:$0x3FAF]  }
0x2d: {  	s3 =	simm.s32 $0x108;
	s8 =	sld [smem:$0x3FB0]  }
0x2e: {  	s3 =	simm.s32 @!p0 $0x1082;
	s9 =	sld [smem:$0x3FB1]  }
0x2f: {  	lr =	sadd.s32 s0, s3;
	s0 =	sld [smem:$0x3FA8]  }
0x30: {  	s3 =	sld [smem:$0x3FAB]  }
0x31: {  	[smem:$0x3FB4] =	sst s10  }
0x32: {  	s10 =	sld [smem:$0x3FB2];
	_ =	sdelay $0x3  }
0x33: {  	p0 =	seq.s32 s10, $0x1;
	s10 =	sld [smem:$0x3FB4];
	_ =	sdelay $0x3  }
0x34: {  	[smem:$0x3FB4] =	sst s10  }
0x35: {  	s10 =	sld [smem:$0x3FB3];
	_ =	sdelay $0x3  }
0x36: {  	p1 =	seq.s32 s10, $0x1;
	s10 =	sld [smem:$0x3FB4];
	_ =	sdelay $0x3  }
0x37: {  	[smem:$0x3FB4] =	sst s10  }
0x38: {  	s10 =	sld [smem:$0x3FB5]  }
0x39: {  	_ = 	snop;
	(pc) =	sbr.ind lr, $3  }
0x3a: {  	_ = 	snop  }
0x3b: {  	_ = 	snop  }
0x3c: {  	p2 =	seq.s32 s10, $0x1;
	s10 =	sld [smem:$0x3FB4]  }
0x3d: {  	_ =	shalt  }
0x3e: {  	_ =	shalt  }
0x3f: {  	_ =	shalt  }
0x40: {  	_ =	shalt  }
0x41: {  	_ =	shalt  }
0x42: {  	_ =	shalt  }
0x43: {  	_ =	shalt  }
0x44: {  	_ =	shalt  }
0x45: {  	_ =	shalt  }
0x46: {  	_ =	shalt  }
0x47: {  	_ =	shalt  }
0x48: {  	_ =	shalt  }
0x49: {  	_ =	shalt  }
0x4a: {  	_ =	shalt  }
0x4b: {  	_ =	shalt  }
0x4c: {  	_ =	shalt  }
0x4d: {  	_ =	shalt  }
0x4e: {  	_ =	shalt  }
0x4f: {  	_ =	shalt  }
0x50: {  	_ =	shalt  }
0x51: {  	_ =	shalt  }
0x52: {  	_ =	shalt  }
0x53: {  	_ =	shalt  }
0x54: {  	_ =	shalt  }
0x55: {  	_ =	shalt  }
0x56: {  	_ =	shalt  }
0x57: {  	_ =	shalt  }
0x58: {  	_ =	shalt  }
0x59: {  	_ =	shalt  }
0x5a: {  	_ =	shalt  }
0x5b: {  	_ =	shalt  }
0x5c: {  	_ =	shalt  }
0x5d: {  	_ =	shalt  }
0x5e: {  	_ =	shalt  }
0x5f: {  	_ =	shalt  }
0x60: {  	_ =	shalt  }
0x61: {  	_ =	shalt  }
0x62: {  	_ =	shalt  }
0x63: {  	_ =	shalt  }
0x64: {  	_ =	shalt  }
0x65: {  	_ =	shalt  }
0x66: {  	_ =	shalt  }
0x67: {  	_ =	shalt  }
0x68: {  	_ =	shalt  }
0x69: {  	_ =	shalt  }
0x6a: {  	_ =	shalt  }
0x6b: {  	_ =	shalt  }
0x6c: {  	_ =	shalt  }
0x6d: {  	_ =	shalt  }
0x6e: {  	_ =	shalt  }
0x6f: {  	_ =	shalt  }
0x70: {  	_ =	shalt  }
0x71: {  	_ =	shalt  }
0x72: {  	_ =	shalt  }
0x73: {  	_ =	shalt  }
0x74: {  	_ =	shalt  }
0x75: {  	_ =	shalt  }
0x76: {  	_ =	shalt  }
0x77: {  	_ =	shalt  }
0x78: {  	_ =	shalt  }
0x79: {  	_ =	shalt  }
0x7a: {  	_ =	shalt  }
0x7b: {  	_ =	shalt  }
0x7c: {  	_ =	shalt  }
0x7d: {  	_ =	shalt  }
0x7e: {  	_ =	shalt  }
0x7f: {  	_ =	shalt  }
0x80: {  	_ =	shalt  }
0x81: {  	_ =	shalt  }
0x82: {  	_ =	shalt  }
0x83: {  	_ =	shalt  }
0x84: {  	_ =	shalt  }
0x85: {  	_ =	shalt  }
0x86: {  	_ =	shalt  }
0x87: {  	_ =	shalt  }
.Lfunc_end0:
.L_simem_size_0:
called_computation_lowered:
.L_overlay_start_0:
0x88: {  	s2 =	sld [smem:$0x3FD9]  }
0x89: {  	s3 =	sld [smem:$0x3FFE];
	_ =	sdelay $0x1  }
0x8a: {  	s1 =	srdreg.scid  }
0x8b: {  	s0 =	sand.u32 $0x1, s1  }
0x8c: {  	s17 =	sshll.u32 s0, $0xA;
	s2 =	sadd.s32 s3, s2  }
0x8d: {  	s2 =	sadd.s32 s2, s17  }
0x8e: {  	[smem:$0x3FC0] =	sst s2  }
0x8f: {  	_ = 	snop  }
0x90: {  	s2 =	sld [smem:$0x3FC8]  }
0x91: {  	s18 =	sld [smem:$0x3FD0];
	(tm) =	ssettm $0x1  }
0x92: {  	s4 =	sld [smem:$0x3FFB];
	_ =	sdelay $0x3  }
0x93: {  	_ =	strace s4  }
0x94: {  	s4 =	sld [smem:$0x3FFC];
	_ =	sdelay $0x3  }
0x95: {  	_ =	strace s4  }
0x96: {  	s4 =	sld [smem:$0x3FFD];
	_ =	sdelay $0x3  }
0x97: {  	_ =	strace s4  }
0x98: {  	_ =	strace $0x8FFFFFFF  }
0x99: {  	s19 =	sld [smem:$0x3FDB];
	_ =	sdelay $0x1  }
0x9a: {  	s5 =	simm.s32 $_scs_section_size  }
0x9b: {  	s6 =	simm.s32 $_size__tile_overlayer_lowered;
	s7 =	simm.s32 $_tile_overlayer_lowered  }
0x9c: {  	s22 =	simm.s32 $0x1BFF;
	s21 =	sshll.u32 s7, $0x1;
	s4 =	sadd.s32 s5, s19  }
0x9d: {  	s8 =	simm.s32 $0x0;
	s20 =	sshll.u32 s6, $0x1;
	s6 =	sadd.s32 s21, s4  }
0x9e: {  	[timem:s8], [sflag:s22] =	dma.local [hbm:s6], s20  }
0x9f: {  	_ =	swait.ge [sflag:s22], s20  }
0xa0: {  	s5 =	ssub.s32 $0x0, s20;
	[sflag:s22] =	ssyncset.done $0x0  }
0xa1: {  	[sflag:s22] =	ssyncadd.s32 s5;
	_ =	sdelay $0x1  }
0xa2: {  	s23 =	simm.s32 $0x1B8B  }
0xa3: {  	_ =	swait.ge [sflag:s23], $0x1  }
0xa4: {  	[sflag:s23] =	ssyncset.done $0x0  }
0xa5: {  	s25 =	simm.s32 $0x1B8E;
	s24 =	sld [smem:$0x3FFE];
	[sflag:s23] =	ssyncadd.s32 $0xFFFFFFFF  }
0xa6: {  	s26 =	simm.s32 $execute0_lowered;
	[smem:$0x3FD2] =	sst s25  }
0xa7: {  	s6 =	sshll.u32 s26, $0x1;
	_ =	strace $0x80000046;
	[dreg:$0x1] =	wrdreg $0xFFFFFFFF  }
0xa8: {  	s28 =	simm.s32 $_size_execute0_lowered;
	s4 =	sadd.s32 s4, s6;
	[dreg:$0x0] =	wrdreg $0x0  }
0xa9: {  	s6 =	sshll.u32 s28, $0x1;
	[dreg:$0x2] =	wrdreg s4  }
0xaa: {  	[dreg:$0x3] =	wrdreg s6  }
0xab: {  	[dreg:$0x4] =	wrdreg $0xC0  }
0xac: {  	_ =	task [dreg:s8], $0x5FFFF  }
0xad: {  	[dreg:$0x1] =	wrdreg $0xFFFFFFFF  }
0xae: {  	[dreg:$0x0] =	wrdreg $0x60  }
0xaf: {  	[dreg:$0x2] =	wrdreg s2  }
0xb0: {  	[dreg:$0x3] =	wrdreg s18  }
0xb1: {  	[dreg:$0x4] =	wrdreg s24  }
0xb2: {  	[dreg:$0x5] =	wrdreg $0x9  }
0xb3: {  	_ =	task.clear_ibuf [dreg:s8], $0x6FFFF;
	_ =	strace $0x90000046  }
0xb4: {  	s29 =	simm.s32 $0x9;
	_ =	strace $0x80000048  }
0xb5: {  	_ =	swait.ge [sflag:s29], $0x1  }
0xb6: {  	[sflag:s29] =	ssyncadd.s32 $0xFFFFFFFF  }
0xb7: {  	_ =	strace $0x90000048  }
0xb8: {  	_ =	sfence  }
0xb9: {  	s30 =	sld [smem:$0x0];
	_ =	sdelay $0x2  }
0xba: {  	s31 =	sshll.u32 s1, $0xD;
	s1 =	sshrl.u32 s1, $0x2  }
0xbb: {  	s3 =	sand.u32 $0x4000, s31;
	s1 =	sadd.s32 s1, s30  }
0xbc: {  	s0 =	sor.u32 s3, s0;
	s1 =	sshll.u32 s1, $0x11  }
0xbd: {  	s0 =	sor.u32 s1, s0  }
0xbe: {  	s0 =	sadd.s32 $0x8F2B, s0  }
0xbf: {  	[sflag:s0] =	ssyncadd.remote.s32 $0x1  }
0xc0: {  	_ =	sfence.sel $0xFFFF  }
0xc1: {  	[dreg:$0x0] =	wrdreg $0xFFFFFFFF;
	(pc) =	sbr.abs _section_cstart, $3  }
0xc2: {  	[dreg:$0x1] =	wrdreg $0xFFFFFFFF  }
0xc3: {  	_ =	task.clear_ibuf [dreg:s8], $0x2FFFF;
	_ =	strace $0x9FFFFFFF  }
0xc4: {  	(tm) =	ssettm $0x7FFFFFFF  }
0xc5: {  	_ =	shalt  }
tec
execute0_lowered:
.L_overlay_start_1:
0x0: {  	(tag) =	ssettag $0x1  }
0x1: {  	s2 =	rddreg [dreg:$0x0]  }
0x2: {  	s0 =	rddreg [dreg:$0x1]  }
0x3: {  	s1 =	rddreg [dreg:$0x2]  }
0x4: {  	s8 =	stileid.u32;
	s3 =	simm.s32 $0x0;
	s26 =	simm.s32 $0x900  }
0x5: {  	s5 =	sshll.u32 s8, $0x12;
	[smem:$0x7FF] =	sst s3;
	s25 =	sshll.u32 s8, $0xD  }
0x6: {  	s8 =	simm.s32 $0x1900;
	_ =	strace $0x80000047;
	[dreg:$0x5] =	wrdreg s26  }
0x7: {  	s9 =	simm.s32 $0x2100;
	[dreg:$0x7] =	wrdreg s8  }
0x8: {  	s4 =	srdreg.scid;
	s10 =	simm.s32 $0x2900;
	[dreg:$0x8] =	wrdreg s9  }
0x9: {  	s11 =	simm.s32 $0x3100;
	s13 =	simm.s32 $0x3900;
	[dreg:$0x9] =	wrdreg s10  }
0xa: {  	s15 =	simm.s32 $0x4100;
	s16 =	simm.s32 $0x4900;
	[dreg:$0xa] =	wrdreg s11  }
0xb: {  	s18 =	simm.s32 $0x5100;
	s19 =	simm.s32 $0x5900;
	[dreg:$0xb] =	wrdreg s13  }
0xc: {  	s20 =	simm.s32 $0x6100;
	s21 =	simm.s32 $0x6900;
	[dreg:$0xc] =	wrdreg s15  }
0xd: {  	s22 =	simm.s32 $0x7100;
	s23 =	simm.s32 $0x7900;
	[dreg:$0xd] =	wrdreg s16  }
0xe: {  	s28 =	simm.s32 $0x4;
	s29 =	simm.s32 $0x5;
	[dreg:$0xe] =	wrdreg s18  }
0xf: {  	s30 =	simm.s32 $0x6;
	s31 =	simm.s32 $0x0;
	[dreg:$0xf] =	wrdreg s19  }
0x10: {  	s4 =	sand.u32 $0x1, s4;
	s1 =	sadd.s32 s5, s1;
	[dreg:$0x10] =	wrdreg s20  }
0x11: {  	s24 =	ssub.s32 $0x2, s4;
	s6 =	sshll.u32 s4, $0x11;
	[dreg:$0x11] =	wrdreg s21  }
0x12: {  	s4 =	sshll.u32 s4, $0xC;
	s10 =	simm.s32 $0x1;
	[dreg:$0x12] =	wrdreg s22  }
0x13: {  	s11 =	simm.s32 $0x100;
	[dreg:$0x13] =	wrdreg s23;
	s13 =	simm.s32 $0x2  }
0x14: {  	s26 =	simm.s32 $0x9900;
	s15 =	simm.s32 $0xA100;
	s16 =	simm.s32 $0xA900  }
0x15: {  	s18 =	simm.s32 $0xB900;
	s19 =	simm.s32 $0xC100;
	s20 =	simm.s32 $0xC900  }
0x16: {  	s21 =	simm.s32 $0xD100;
	s22 =	simm.s32 $0xD900;
	s23 =	simm.s32 $0xE100  }
0x17: {  	s7 =	sshrl.u32 s24, $0x1;
	s1 =	sadd.s32 s6, s1;
	s6 =	sor.u32 s4, s25  }
0x18: {  	s25 =	simm.s32 $0x9100;
	[dreg:$0x16] =	wrdreg s26;
	s26 =	simm.s32 $0xF900  }
0x19: {  	s5 =	ssub.s32 s24, s7;
	s1 =	sadd.s32 $0x1000, s1;
	s7 =	simm.s32 $0x1100  }
0x1a: {  	s4 =	sshrl.u32 s6, $0x3;
	s14 =	sor.u32 $0x180, s6;
	[dreg:$0x15] =	wrdreg s25  }
0x1b: {  	s6 =	sor.u32 $0x100, s6;
	s24 =	simm.s32 $0x8900;
	[dreg:$0x4] =	wrdreg s1  }
0x1c: {  	s25 =	simm.s32 $0xF100;
	[dreg:$0x6] =	wrdreg s7;
	s4 =	sadd.s32 s0, s4  }
0x1d: {  	s12 =	smax.u32 s5, $0x1;
	s5 =	sshrl.u32 s14, $0x3;
	[dreg:$0x14] =	wrdreg s24  }
0x1e: {  	s6 =	sshrl.u32 s6, $0x3;
	s14 =	simm.s32 $0x8100;
	[dreg:$0x17] =	wrdreg s4  }
0x1f: {  	v2 =	vlaneseq.u32;
	s24 =	simm.s32 $0xE900;
	s4 =	sadd.s32 $0x10, s4;
	[dreg:$0x19] =	wrdreg s12  }
0x20: {  	vm0 =	vmmov $0xffff;
	v1 =	vshrl.u32 v2, $0x3;
	s17 =	sadd.s32 s5, s0;
	s0 =	sadd.s32 s6, s0;
	[dreg:$0x18] =	wrdreg s4  }
0x21: {  	v0 =	vand.u32 $0x7, v2;
	v2 =	vor.u32 $0x8, v2;
	v1 =	vmul.u32 $0x8, v1;
	s12 =	simm.s32 $0x3;
	[dreg:$0x1a] =	wrdreg s17;
	s17 =	simm.s32 $0xB100  }
.LBB2_1:
0x22: {  	s1 =	rddreg [dreg:$0x17]  }
0x23: {  	[tilespmem:s3], [sflag:$0x1] =	stream.linear.gather [hbm4b:s1+s3], $0x80, $0x38;
	[tilespmem:$0x10100] =	vst v63  }
0x24: {  	s9 =	rddreg [dreg:$0x18];
	s4 =	simm.s32 $0x80  }
0x25: {  	[tilespmem:s4], [sflag:$0x2] =	stream.linear.gather [hbm4b:s9+s3], $0x80, $0x38;
	[tilespmem:$0x10100] =	vst v63  }
0x26: {  	s8 =	smov.u32 s0;
	s7 =	rddreg [dreg:$0x1a];
	s9 =	simm.s32 $0x0  }
.LBB2_2:
0x27: {  	p0 =	seq.s32 s9, $0x0  }
0x28: {  	s5 =	simm.s32 @!p0 $0x5  }
0x29: {  	_ =	swait.ge @!p0 [sflag:s5], $0x8000  }
0x2a: {  	[sflag:s5] =	ssyncset.done @!p0 $0x0  }
0x2b: {  	[sflag:s5] =	ssyncadd.s32 @!p0 $0xFFFF8000  }
0x2c: {  	_ =	swait.ge [sflag:s10], $0x80  }
0x2d: {  	[sflag:s10] =	ssyncset.done $0x0  }
0x2e: {  	[sflag:s10] =	ssyncadd.s32 $0xFFFFFF80  }
0x2f: {  	v3 =	vld [tilespmem:$0x0];
	_ =	sdelay $0x4  }
0x30: {  	v4 =	vshll.u32 v3, $0x1  }
0x31: {  	v3 =	vand.u32 $0x7, v3;
	v4 =	vand.u32 $0xFFFFFFF0, v4  }
0x32: {  	v3 =	vor.u32 v3, v4  }
0x33: {  	v4 =	vperm.xlane v3, v0;
	_ =	sdelay $0x1  }
0x34: {  	v3 =	vperm.xlane v3, v2;
	v4 =	vadd.s32 v1, v4;
	_ =	sdelay $0x1  }
0x35: {  	v3 =	vadd.s32 v1, v3;
	_ =	sdelay $0x2  }
0x36: {  	[tilespmem:s11], [sflag:$0x3] =	stream.indirect_vreg.gather [hbm4b:s2+s3], $0x80, v4, vm0, $0xb8;
	[tilespmem:$0x10100] =	vst v63  }
0x37: {  	s1 =	rddreg [dreg:$0x5]  }
0x38: {  	[tilespmem:s1], [sflag:$0x3] =	stream.indirect_vreg.gather [hbm4b:s2+s3], $0x80, v3, vm0, $0xb8;
	[tilespmem:$0x10100] =	vst v63  }
0x39: {  	v3 =	vld [tilespmem:$0x10];
	_ =	sdelay $0x4  }
0x3a: {  	v49 =	vshll.u32 v3, $0x1  }
0x3b: {  	v3 =	vand.u32 $0x7, v3;
	v4 =	vand.u32 $0xFFFFFFF0, v49  }
0x3c: {  	v3 =	vor.u32 v3, v4  }
0x3d: {  	v4 =	vperm.xlane v3, v0;
	_ =	sdelay $0x1  }
0x3e: {  	v3 =	vperm.xlane v3, v2;
	v4 =	vadd.s32 v1, v4;
	_ =	sdelay $0x1  }
0x3f: {  	v3 =	vadd.s32 v1, v3;
	_ =	sdelay $0x1  }
0x40: {  	s4 =	rddreg [dreg:$0x6]  }
0x41: {  	[tilespmem:s4], [sflag:$0x3] =	stream.indirect_vreg.gather [hbm4b:s2+s3], $0x80, v4, vm0, $0xb8;
	[tilespmem:$0x10100] =	vst v63  }
0x42: {  	s6 =	rddreg [dreg:$0x7]  }
0x43: {  	[tilespmem:s6], [sflag:$0x3] =	stream.indirect_vreg.gather [hbm4b:s2+s3], $0x80, v3, vm0, $0xb8;
	[tilespmem:$0x10100] =	vst v63  }
0x44: {  	v3 =	vld [tilespmem:$0x20];
	_ =	sdelay $0x4  }
0x45: {  	v50 =	vshll.u32 v3, $0x1  }
0x46: {  	v3 =	vand.u32 $0x7, v3;
	v4 =	vand.u32 $0xFFFFFFF0, v50  }
0x47: {  	v3 =	vor.u32 v3, v4  }
0x48: {  	v4 =	vperm.xlane v3, v0;
	_ =	sdelay $0x1  }
0x49: {  	v3 =	vperm.xlane v3, v2;
	v4 =	vadd.s32 v1, v4;
	_ =	sdelay $0x1  }
0x4a: {  	v3 =	vadd.s32 v1, v3;
	_ =	sdelay $0x1  }
0x4b: {  	s1 =	rddreg [dreg:$0x8]  }
0x4c: {  	[tilespmem:s1], [sflag:$0x3] =	stream.indirect_vreg.gather [hbm4b:s2+s3], $0x80, v4, vm0, $0xb8;
	[tilespmem:$0x10100] =	vst v63  }
0x4d: {  	s4 =	rddreg [dreg:$0x9]  }
0x4e: {  	[tilespmem:s4], [sflag:$0x3] =	stream.indirect_vreg.gather [hbm4b:s2+s3], $0x80, v3, vm0, $0xb8;
	[tilespmem:$0x10100] =	vst v63  }
0x4f: {  	v3 =	vld [tilespmem:$0x30];
	_ =	sdelay $0x4  }
0x50: {  	v51 =	vshll.u32 v3, $0x1  }
0x51: {  	v3 =	vand.u32 $0x7, v3;
	v4 =	vand.u32 $0xFFFFFFF0, v51  }
0x52: {  	v3 =	vor.u32 v3, v4  }
0x53: {  	v4 =	vperm.xlane v3, v0;
	_ =	sdelay $0x1  }
0x54: {  	v3 =	vperm.xlane v3, v2;
	v4 =	vadd.s32 v1, v4;
	_ =	sdelay $0x1  }
0x55: {  	v3 =	vadd.s32 v1, v3;
	_ =	sdelay $0x1  }
0x56: {  	s1 =	rddreg [dreg:$0xa]  }
0x57: {  	[tilespmem:s1], [sflag:$0x3] =	stream.indirect_vreg.gather [hbm4b:s2+s3], $0x80, v4, vm0, $0xb8;
	[tilespmem:$0x10100] =	vst v63  }
0x58: {  	s4 =	rddreg [dreg:$0xb]  }
0x59: {  	[tilespmem:s4], [sflag:$0x3] =	stream.indirect_vreg.gather [hbm4b:s2+s3], $0x80, v3, vm0, $0xb8;
	[tilespmem:$0x10100] =	vst v63  }
0x5a: {  	v3 =	vld [tilespmem:$0x40];
	_ =	sdelay $0x4  }
0x5b: {  	v52 =	vshll.u32 v3, $0x1  }
0x5c: {  	v3 =	vand.u32 $0x7, v3;
	v4 =	vand.u32 $0xFFFFFFF0, v52  }
0x5d: {  	v3 =	vor.u32 v3, v4  }
0x5e: {  	v4 =	vperm.xlane v3, v0;
	_ =	sdelay $0x1  }
0x5f: {  	v3 =	vperm.xlane v3, v2;
	v4 =	vadd.s32 v1, v4;
	_ =	sdelay $0x1  }
0x60: {  	v3 =	vadd.s32 v1, v3;
	_ =	sdelay $0x1  }
0x61: {  	s1 =	rddreg [dreg:$0xc]  }
0x62: {  	[tilespmem:s1], [sflag:$0x3] =	stream.indirect_vreg.gather [hbm4b:s2+s3], $0x80, v4, vm0, $0xb8;
	[tilespmem:$0x10100] =	vst v63  }
0x63: {  	s4 =	rddreg [dreg:$0xd]  }
0x64: {  	[tilespmem:s4], [sflag:$0x3] =	stream.indirect_vreg.gather [hbm4b:s2+s3], $0x80, v3, vm0, $0xb8;
	[tilespmem:$0x10100] =	vst v63  }
0x65: {  	v3 =	vld [tilespmem:$0x50];
	_ =	sdelay $0x4  }
0x66: {  	v53 =	vshll.u32 v3, $0x1  }
0x67: {  	v3 =	vand.u32 $0x7, v3;
	v4 =	vand.u32 $0xFFFFFFF0, v53  }
0x68: {  	v3 =	vor.u32 v3, v4  }
0x69: {  	v4 =	vperm.xlane v3, v0;
	_ =	sdelay $0x1  }
0x6a: {  	v3 =	vperm.xlane v3, v2;
	v4 =	vadd.s32 v1, v4;
	_ =	sdelay $0x1  }
0x6b: {  	v3 =	vadd.s32 v1, v3;
	_ =	sdelay $0x1  }
0x6c: {  	s1 =	rddreg [dreg:$0xe]  }
0x6d: {  	[tilespmem:s1], [sflag:$0x3] =	stream.indirect_vreg.gather [hbm4b:s2+s3], $0x80, v4, vm0, $0xb8;
	[tilespmem:$0x10100] =	vst v63  }
0x6e: {  	s4 =	rddreg [dreg:$0xf]  }
0x6f: {  	[tilespmem:s4], [sflag:$0x3] =	stream.indirect_vreg.gather [hbm4b:s2+s3], $0x80, v3, vm0, $0xb8;
	[tilespmem:$0x10100] =	vst v63  }
0x70: {  	v3 =	vld [tilespmem:$0x60];
	_ =	sdelay $0x4  }
0x71: {  	v54 =	vshll.u32 v3, $0x1  }
0x72: {  	v3 =	vand.u32 $0x7, v3;
	v4 =	vand.u32 $0xFFFFFFF0, v54  }
0x73: {  	v3 =	vor.u32 v3, v4  }
0x74: {  	v4 =	vperm.xlane v3, v0;
	_ =	sdelay $0x1  }
0x75: {  	v3 =	vperm.xlane v3, v2;
	v4 =	vadd.s32 v1, v4;
	_ =	sdelay $0x1  }
0x76: {  	v3 =	vadd.s32 v1, v3;
	_ =	sdelay $0x1  }
0x77: {  	s1 =	rddreg [dreg:$0x10]  }
0x78: {  	[tilespmem:s1], [sflag:$0x3] =	stream.indirect_vreg.gather [hbm4b:s2+s3], $0x80, v4, vm0, $0xb8;
	[tilespmem:$0x10100] =	vst v63  }
0x79: {  	s4 =	rddreg [dreg:$0x11]  }
0x7a: {  	[tilespmem:s4], [sflag:$0x3] =	stream.indirect_vreg.gather [hbm4b:s2+s3], $0x80, v3, vm0, $0xb8;
	[tilespmem:$0x10100] =	vst v63  }
0x7b: {  	v3 =	vld [tilespmem:$0x70];
	_ =	sdelay $0x4  }
0x7c: {  	v55 =	vshll.u32 v3, $0x1  }
0x7d: {  	v3 =	vand.u32 $0x7, v3;
	v4 =	vand.u32 $0xFFFFFFF0, v55  }
0x7e: {  	v3 =	vor.u32 v3, v4  }
0x7f: {  	v4 =	vperm.xlane v3, v0;
	_ =	sdelay $0x1  }
0x80: {  	v3 =	vperm.xlane v3, v2;
	v4 =	vadd.s32 v1, v4;
	_ =	sdelay $0x1  }
0x81: {  	v3 =	vadd.s32 v1, v3;
	_ =	sdelay $0x1  }
0x82: {  	s6 =	rddreg [dreg:$0x12]  }
0x83: {  	[tilespmem:s6], [sflag:$0x3] =	stream.indirect_vreg.gather [hbm4b:s2+s3], $0x80, v4, vm0, $0xb8;
	[tilespmem:$0x10100] =	vst v63  }
0x84: {  	s1 =	rddreg [dreg:$0x13]  }
0x85: {  	[tilespmem:s1], [sflag:$0x3] =	stream.indirect_vreg.gather [hbm4b:s2+s3], $0x80, v3, vm0, $0xb8;
	[tilespmem:$0x10100] =	vst v63  }
0x86: {  	_ =	swait.ge [sflag:s12], $0x8000  }
0x87: {  	p1 =	seq.s32 s9, $0x1E000;
	[sflag:s12] =	ssyncset.done $0x0  }
0x88: {  	s5 =	simm.s32 @!p1 $0x0;
	s4 =	rddreg [dreg:$0x4];
	[sflag:s12] =	ssyncadd.s32 $0xFFFF8000  }
0x89: {  	[tilespmem:s5], [sflag:$0x1] =	stream.linear.gather @!p1 [hbm4b:s8+s5], $0x80, $0x38;
	[tilespmem:$0x10100] =	vst v63  }
0x8a: {  	s6 =	sadd.s32 s9, s4;
	s4 =	simm.s32 @!p0 $0x6  }
0x8b: {  	[hbm4b:s6+s3] =	stream.linear.scatter [tilespmem:s11], [sflag:$0x5], $0x8000, $0x38;
	[tilespmem:$0x10100] =	vst v63  }
0x8c: {  	_ =	swait.ge @!p0 [sflag:s4], $0x8000  }
0x8d: {  	[sflag:s4] =	ssyncset.done @!p0 $0x0  }
0x8e: {  	[sflag:s4] =	ssyncadd.s32 @!p0 $0xFFFF8000  }
0x8f: {  	_ =	swait.ge [sflag:s13], $0x80  }
0x90: {  	[sflag:s13] =	ssyncset.done $0x0  }
0x91: {  	[sflag:s13] =	ssyncadd.s32 $0xFFFFFF80  }
0x92: {  	v3 =	vld [tilespmem:$0x80];
	_ =	sdelay $0x4  }
0x93: {  	v56 =	vshll.u32 v3, $0x1  }
0x94: {  	v3 =	vand.u32 $0x7, v3;
	v4 =	vand.u32 $0xFFFFFFF0, v56  }
0x95: {  	v3 =	vor.u32 v3, v4  }
0x96: {  	v4 =	vperm.xlane v3, v0;
	_ =	sdelay $0x1  }
0x97: {  	v3 =	vperm.xlane v3, v2;
	v4 =	vadd.s32 v1, v4;
	_ =	sdelay $0x1  }
0x98: {  	v3 =	vadd.s32 v1, v3;
	_ =	sdelay $0x2  }
0x99: {  	[tilespmem:s14], [sflag:$0x4] =	stream.indirect_vreg.gather [hbm4b:s2+s3], $0x80, v4, vm0, $0xb8;
	[tilespmem:$0x10100] =	vst v63  }
0x9a: {  	s1 =	rddreg [dreg:$0x14]  }
0x9b: {  	[tilespmem:s1], [sflag:$0x4] =	stream.indirect_vreg.gather [hbm4b:s2+s3], $0x80, v3, vm0, $0xb8;
	[tilespmem:$0x10100] =	vst v63  }
0x9c: {  	v3 =	vld [tilespmem:$0x90];
	_ =	sdelay $0x4  }
0x9d: {  	v57 =	vshll.u32 v3, $0x1  }
0x9e: {  	v3 =	vand.u32 $0x7, v3;
	v4 =	vand.u32 $0xFFFFFFF0, v57  }
0x9f: {  	v3 =	vor.u32 v3, v4  }
0xa0: {  	v4 =	vperm.xlane v3, v0;
	_ =	sdelay $0x1  }
0xa1: {  	v3 =	vperm.xlane v3, v2;
	v4 =	vadd.s32 v1, v4;
	_ =	sdelay $0x1  }
0xa2: {  	v3 =	vadd.s32 v1, v3;
	_ =	sdelay $0x1  }
0xa3: {  	s4 =	rddreg [dreg:$0x15]  }
0xa4: {  	[tilespmem:s4], [sflag:$0x4] =	stream.indirect_vreg.gather [hbm4b:s2+s3], $0x80, v4, vm0, $0xb8;
	[tilespmem:$0x10100] =	vst v63  }
0xa5: {  	s1 =	rddreg [dreg:$0x16]  }
0xa6: {  	[tilespmem:s1], [sflag:$0x4] =	stream.indirect_vreg.gather [hbm4b:s2+s3], $0x80, v3, vm0, $0xb8;
	[tilespmem:$0x10100] =	vst v63  }
0xa7: {  	v3 =	vld [tilespmem:$0xA0];
	_ =	sdelay $0x4  }
0xa8: {  	v58 =	vshll.u32 v3, $0x1  }
0xa9: {  	v3 =	vand.u32 $0x7, v3;
	v4 =	vand.u32 $0xFFFFFFF0, v58  }
0xaa: {  	v3 =	vor.u32 v3, v4  }
0xab: {  	v4 =	vperm.xlane v3, v0;
	_ =	sdelay $0x1  }
0xac: {  	v3 =	vperm.xlane v3, v2;
	v4 =	vadd.s32 v1, v4;
	_ =	sdelay $0x1  }
0xad: {  	v3 =	vadd.s32 v1, v3;
	_ =	sdelay $0x2  }
0xae: {  	[tilespmem:s15], [sflag:$0x4] =	stream.indirect_vreg.gather [hbm4b:s2+s3], $0x80, v4, vm0, $0xb8;
	[tilespmem:$0x10100] =	vst v63  }
0xaf: {  	_ = 	snop  }
0xb0: {  	[tilespmem:s16], [sflag:$0x4] =	stream.indirect_vreg.gather [hbm4b:s2+s3], $0x80, v3, vm0, $0xb8;
	[tilespmem:$0x10100] =	vst v63  }
0xb1: {  	v3 =	vld [tilespmem:$0xB0];
	_ =	sdelay $0x4  }
0xb2: {  	v59 =	vshll.u32 v3, $0x1  }
0xb3: {  	v3 =	vand.u32 $0x7, v3;
	v4 =	vand.u32 $0xFFFFFFF0, v59  }
0xb4: {  	v3 =	vor.u32 v3, v4  }
0xb5: {  	v4 =	vperm.xlane v3, v0;
	_ =	sdelay $0x1  }
0xb6: {  	v3 =	vperm.xlane v3, v2;
	v4 =	vadd.s32 v1, v4;
	_ =	sdelay $0x1  }
0xb7: {  	v3 =	vadd.s32 v1, v3;
	_ =	sdelay $0x2  }
0xb8: {  	[tilespmem:s17], [sflag:$0x4] =	stream.indirect_vreg.gather [hbm4b:s2+s3], $0x80, v4, vm0, $0xb8;
	[tilespmem:$0x10100] =	vst v63  }
0xb9: {  	_ = 	snop  }
0xba: {  	[tilespmem:s18], [sflag:$0x4] =	stream.indirect_vreg.gather [hbm4b:s2+s3], $0x80, v3, vm0, $0xb8;
	[tilespmem:$0x10100] =	vst v63  }
0xbb: {  	v3 =	vld [tilespmem:$0xC0];
	_ =	sdelay $0x4  }
0xbc: {  	v60 =	vshll.u32 v3, $0x1  }
0xbd: {  	v3 =	vand.u32 $0x7, v3;
	v4 =	vand.u32 $0xFFFFFFF0, v60  }
0xbe: {  	v3 =	vor.u32 v3, v4  }
0xbf: {  	v4 =	vperm.xlane v3, v0;
	_ =	sdelay $0x1  }
0xc0: {  	v3 =	vperm.xlane v3, v2;
	v4 =	vadd.s32 v1, v4;
	_ =	sdelay $0x1  }
0xc1: {  	v3 =	vadd.s32 v1, v3;
	_ =	sdelay $0x2  }
0xc2: {  	[tilespmem:s19], [sflag:$0x4] =	stream.indirect_vreg.gather [hbm4b:s2+s3], $0x80, v4, vm0, $0xb8;
	[tilespmem:$0x10100] =	vst v63  }
0xc3: {  	_ = 	snop  }
0xc4: {  	[tilespmem:s20], [sflag:$0x4] =	stream.indirect_vreg.gather [hbm4b:s2+s3], $0x80, v3, vm0, $0xb8;
	[tilespmem:$0x10100] =	vst v63  }
0xc5: {  	v3 =	vld [tilespmem:$0xD0];
	_ =	sdelay $0x4  }
0xc6: {  	v61 =	vshll.u32 v3, $0x1  }
0xc7: {  	v3 =	vand.u32 $0x7, v3;
	v4 =	vand.u32 $0xFFFFFFF0, v61  }
0xc8: {  	v3 =	vor.u32 v3, v4  }
0xc9: {  	v4 =	vperm.xlane v3, v0;
	_ =	sdelay $0x1  }
0xca: {  	v3 =	vperm.xlane v3, v2;
	v4 =	vadd.s32 v1, v4;
	_ =	sdelay $0x1  }
0xcb: {  	v3 =	vadd.s32 v1, v3;
	_ =	sdelay $0x2  }
0xcc: {  	[tilespmem:s21], [sflag:$0x4] =	stream.indirect_vreg.gather [hbm4b:s2+s3], $0x80, v4, vm0, $0xb8;
	[tilespmem:$0x10100] =	vst v63  }
0xcd: {  	_ = 	snop  }
0xce: {  	[tilespmem:s22], [sflag:$0x4] =	stream.indirect_vreg.gather [hbm4b:s2+s3], $0x80, v3, vm0, $0xb8;
	[tilespmem:$0x10100] =	vst v63  }
0xcf: {  	v3 =	vld [tilespmem:$0xE0];
	_ =	sdelay $0x4  }
0xd0: {  	v62 =	vshll.u32 v3, $0x1  }
0xd1: {  	v3 =	vand.u32 $0x7, v3;
	v4 =	vand.u32 $0xFFFFFFF0, v62  }
0xd2: {  	v3 =	vor.u32 v3, v4  }
0xd3: {  	v4 =	vperm.xlane v3, v0;
	_ =	sdelay $0x1  }
0xd4: {  	v3 =	vperm.xlane v3, v2;
	v4 =	vadd.s32 v1, v4;
	_ =	sdelay $0x1  }
0xd5: {  	v3 =	vadd.s32 v1, v3;
	_ =	sdelay $0x2  }
0xd6: {  	[tilespmem:s23], [sflag:$0x4] =	stream.indirect_vreg.gather [hbm4b:s2+s3], $0x80, v4, vm0, $0xb8;
	[tilespmem:$0x10100] =	vst v63  }
0xd7: {  	_ = 	snop  }
0xd8: {  	[tilespmem:s24], [sflag:$0x4] =	stream.indirect_vreg.gather [hbm4b:s2+s3], $0x80, v3, vm0, $0xb8;
	[tilespmem:$0x10100] =	vst v63  }
0xd9: {  	v3 =	vld [tilespmem:$0xF0];
	_ =	sdelay $0x4  }
0xda: {  	v63 =	vshll.u32 v3, $0x1  }
0xdb: {  	v3 =	vand.u32 $0x7, v3;
	v4 =	vand.u32 $0xFFFFFFF0, v63  }
0xdc: {  	v3 =	vor.u32 v3, v4  }
0xdd: {  	v4 =	vperm.xlane v3, v0;
	_ =	sdelay $0x1  }
0xde: {  	v3 =	vperm.xlane v3, v2;
	v4 =	vadd.s32 v1, v4;
	_ =	sdelay $0x1  }
0xdf: {  	v3 =	vadd.s32 v1, v3;
	_ =	sdelay $0x2  }
0xe0: {  	[tilespmem:s25], [sflag:$0x4] =	stream.indirect_vreg.gather [hbm4b:s2+s3], $0x80, v4, vm0, $0xb8;
	[tilespmem:$0x10100] =	vst v63  }
0xe1: {  	s9 =	sadd.s32 $0x2000, s9  }
0xe2: {  	[tilespmem:s26], [sflag:$0x4] =	stream.indirect_vreg.gather [hbm4b:s2+s3], $0x80, v3, vm0, $0xb8;
	[tilespmem:$0x10100] =	vst v63  }
0xe3: {  	p0 =	sne.s32 s9, $0x20000;
	_ =	swait.ge [sflag:s28], $0x8000  }
.Ltmp0:
0xe4: {  	[sflag:s28] =	ssyncset.done $0x0;
	(pc) =	sbr.rel @p0 .LBB2_2-.Ltmp0, $4  }
0xe5: {  	s1 =	simm.s32 @!p1 $0x80;
	[sflag:s28] =	ssyncadd.s32 $0xFFFF8000  }
0xe6: {  	[tilespmem:s1], [sflag:$0x2] =	stream.linear.gather @!p1 [hbm4b:s7+s5], $0x80, $0x38;
	[tilespmem:$0x10100] =	vst v63  }
0xe7: {  	s8 =	sadd.s32 $0x20, s8;
	s6 =	sadd.s32 $0x1000, s6;
	s7 =	sadd.s32 $0x20, s7  }
0xe8: {  	[hbm4b:s6+s3] =	stream.linear.scatter [tilespmem:s14], [sflag:$0x6], $0x8000, $0x38;
	[tilespmem:$0x10100] =	vst v63  }
0xe9: {  	_ =	swait.ge [sflag:s29], $0x8000  }
0xea: {  	[sflag:s29] =	ssyncset.done $0x0  }
0xeb: {  	[sflag:s29] =	ssyncadd.s32 $0xFFFF8000  }
0xec: {  	_ =	swait.ge [sflag:s30], $0x8000  }
0xed: {  	s31 =	sadd.s32 $0x1, s31;
	s1 =	rddreg [dreg:$0x19]  }
0xee: {  	p0 =	sne.s32 s31, s1  }
.Ltmp1:
0xef: {  	_ = 	snop;
	(pc) =	sbr.rel @p0 .LBB2_1-.Ltmp1, $3  }
0xf0: {  	_ =	sdelay $0x1  }
0xf1: {  	[sflag:s30] =	ssyncset.done $0x0  }
0xf2: {  	[sflag:s30] =	ssyncadd.s32 $0xFFFF8000  }
0xf3: {  	_ =	sfence.sel $0x180000  }
0xf4: {  	[bflag:$0x0] =	sbarrier.arrive $0xFFFF  }
0xf5: {  	_ =	strace $0x90000047  }
0xf6: {  	s0 =	stileid.u32;
	[bflag:$0x2] =	sbarrier.arrive $0xFFFF  }
0xf7: {  	p0 =	sne.s32 s0, $0x0;
	s0 =	rddreg [dreg:$0x3]  }
0xf8: {  	s0 =	sadd.s32 @!p0 $0x100000, s0  }
0xf9: {  	[sflag:s0] =	ssyncadd.tile.s32 @!p0 $0x1;
	_ =	shalt  }
.Lfunc_end2:
_tile_overlayer_lowered:
.L_overlay_start_2:
0xfa: {  	(tag) =	ssettag $0x2  }
0xfb: {  	s0 =	rddreg [dreg:$0x0];
	s2 =	stileid.u32  }
0xfc: {  	s1 =	rddreg [dreg:$0x1];
	p0 =	sne.s32 s2, $0x0  }
0xfd: {  	s3 =	rddreg [dreg:$0x2];
	[bflag:$0x3] =	sbarrier.arrive $0xFFFF;
	s2 =	simm.s32 @!p0 $0x1C07  }
0xfe: {  	[timem:s3], [sflag:s2] =	dma.local @!p0 [hbm:s0], s1  }
0xff: {  	s0 =	simm.s32 @!p0 $0x7  }
0x100: {  	_ =	swait.ge @!p0 [sflag:s0], s1  }
0x101: {  	s1 =	ssub.s32 @!p0 $0x0, s1;
	[sflag:s0] =	ssyncset.done @!p0 $0x0  }
0x102: {  	[sflag:s0] =	ssyncadd.s32 @!p0 s1  }
0x103: {  	[bflag:$0x3] =	sbarrier.arrive $0xFFFF  }
0x104: {  	_ =	shalt  }

</sc_bundles>
